<compile_context>
chip_gen: v7x
topology: tpu7x:2x2x1
jax: 0.10.2.dev20260603
libtpu: 0.0.44.dev20260713+nightly
codegen_flags: <defaults>
</compile_context>

<pallas_src>
import functools

import jax
import jax.numpy as jnp
from jax import lax
from jax.experimental import pallas as pl
from jax.experimental.pallas import tpu as pltpu
from jax.experimental.pallas import tpu_sc as plsc

B = 1024
T = 10
N1 = B * T
N2 = N1 * T
D = 64

_NC = 2
_NS = 16
_NW = _NC * _NS
_CHUNK = 128
_TILE_STRIDE = _NW * _CHUNK

_PREC = lax.Precision.DEFAULT


def _sc_run_set(wid, idx_hbm, tab, out_hbm, idx_v, bufs, gsems, ssems):
    n = idx_hbm.shape[0] // _NW
    cbase = wid * n
    rbase = cbase * _CHUNK
    pltpu.sync_copy(idx_hbm.at[pl.ds(cbase, n)], idx_v.at[pl.ds(0, n)])
    rows0, rows1 = bufs[0], bufs[1]
    gsem0, gsem1 = gsems[0], gsems[1]

    def fire(j, rows, sem):
        pltpu.async_copy(tab.at[idx_v.at[j]], rows, sem)

    def drain(rows, sem):
        pltpu.make_async_copy(out_hbm.at[pl.ds(rbase, _CHUNK)], rows,
                              sem).wait()

    def store(j, rows):
        pltpu.sync_copy(rows, out_hbm.at[pl.ds(rbase + j * _CHUNK, _CHUNK)])

    if n == 1:
        fire(0, rows0, gsem0)
        drain(rows0, gsem0)
        store(0, rows0)
        return

    fire(0, rows0, gsem0)
    fire(1, rows1, gsem1)

    def pair(g, carry):
        j0 = 2 * g
        drain(rows0, gsem0)
        store(j0, rows0)

        @pl.when(j0 + 2 < n)
        def _():
            fire(j0 + 2, rows0, gsem0)

        j1 = j0 + 1
        drain(rows1, gsem1)
        store(j1, rows1)

        @pl.when(j1 + 2 < n)
        def _():
            fire(j1 + 2, rows1, gsem1)

        return carry

    lax.fori_loop(0, n // 2, pair, 0, unroll=False)
    if n % 2:
        drain(rows0, gsem0)
        store(n - 1, rows0)


def _sc_gather_multi(sets):
    k = len(sets)
    idxs = [s[0] for s in sets]
    tabs = [s[1] for s in sets]

    def body(*args):
        idx_refs = args[:k]
        tab_refs = args[k:2 * k]
        out_refs = args[2 * k:3 * k]
        idx_v = args[3 * k]
        bufs = args[3 * k + 1:3 * k + 3]
        gsems = args[3 * k + 3:3 * k + 5]
        ssems = ()
        wid = lax.axis_index("s") * _NC + lax.axis_index("c")
        for i in range(k):
            _sc_run_set(wid, idx_refs[i], tab_refs[i], out_refs[i], idx_v,
                        bufs, gsems, ssems)

    mesh = plsc.VectorSubcoreMesh(core_axis_name="c", subcore_axis_name="s")
    out_type = [jax.ShapeDtypeStruct((i.shape[0] * _CHUNK, D), jnp.float32)
                for i in idxs]
    max_n = max(i.shape[0] for i in idxs) // _NW
    fn = functools.partial(
        pl.kernel,
        mesh=mesh,
        out_type=out_type,
        compiler_params=pltpu.CompilerParams(use_tc_tiling_on_sc=False),
        scratch_types=(
            [pltpu.VMEM((max_n, _CHUNK), jnp.int32)]
            + [pltpu.VMEM((_CHUNK, D), jnp.float32)] * 2
            + [pltpu.SemaphoreType.DMA] * 2
        ),
    )(body)
    return fn(*idxs, *tabs)


def _bag_mask(rows):
    bags = rows // T
    col_bag = jnp.arange(rows, dtype=jnp.int32)[None, :] // T
    row_id = jnp.arange(bags, dtype=jnp.int32)[:, None]
    return jnp.where(col_bag == row_id, 1.0, 0.0).astype(jnp.float32)


def _dot(a, b):
    return jnp.dot(a, b, precision=_PREC, preferred_element_type=jnp.float32)


def _k1_body(sp_ref, it_ref, dv_ref, w_ref, mask_ref, wsp_ref, wit_ref,
             pwd_ref, de_ref, pb_ref, qw_ref, qb_ref, out_ref):
    qw = qw_ref[...]
    wsp_q = _dot(wsp_ref[...], qw)
    wit_q = _dot(wit_ref[...], qw)
    vd = _dot(de_ref[...], pwd_ref[...])
    vq = _dot(vd, qw)
    cq = _dot(pb_ref[...], qw) + qb_ref[...]
    dv = dv_ref[0, 0, :]
    pre = (_dot(sp_ref[...], wsp_q) + _dot(it_ref[...], wit_q)
           + dv[:, None] * vq + cq)
    nb = jnp.maximum(pre, 0.0) * w_ref[0, 0, :][:, None]
    out_ref[...] = _dot(mask_ref[...], nb)


def _k2_body(sp_ref, it_ref, dv_ref, w_ref, mask_ref, wn1_ref, wsp_ref,
             wit_ref, pwd_ref, de_ref, pb_ref, qw0_ref, qb0_ref, wwa_ref,
             wwb_ref, wb_ref, qw1_ref, qb1_ref, wn0_ref, wnl_ref):
    vd = _dot(de_ref[...], pwd_ref[...])
    dv = dv_ref[0, 0, :]
    h1 = (_dot(sp_ref[...], wsp_ref[...]) + _dot(it_ref[...], wit_ref[...])
          + dv[:, None] * vd + pb_ref[...])
    w = w_ref[0, 0, :][:, None]
    nb1 = jnp.maximum(_dot(h1, qw0_ref[...]) + qb0_ref[...], 0.0) * w
    wn0_ref[...] = _dot(mask_ref[...], nb1)
    z = jnp.maximum(_dot(h1, wwa_ref[...]) + _dot(wn1_ref[...], wwb_ref[...])
                    + wb_ref[...], 0.0)
    zn = jnp.sqrt(jnp.sum(z * z, axis=1, keepdims=True))
    zn = jnp.where(zn == 0.0, 1.0, zn)
    h1n = z / zn
    nbl = jnp.maximum(_dot(h1n, qw1_ref[...]) + qb1_ref[...], 0.0) * w
    wnl_ref[...] = _dot(mask_ref[...], nbl)


def _k3_body(sp_ref, it_ref, dv_ref, wn0_ref, wnl_ref, wsp_ref, wit_ref,
             pwd_ref, de_ref, pb_ref, wwa0_ref, wwb0_ref, wb0_ref,
             wwa1_ref, wwb1_ref, wb1_ref, g1w_ref, g1b_ref, g2w_ref,
             out_ref):
    vd = _dot(de_ref[...], pwd_ref[...])
    dv = dv_ref[0, 0, :]
    h0 = (_dot(sp_ref[...], wsp_ref[...]) + _dot(it_ref[...], wit_ref[...])
          + dv[:, None] * vd + pb_ref[...])
    z = jnp.maximum(_dot(h0, wwa0_ref[...]) + _dot(wn0_ref[...], wwb0_ref[...])
                    + wb0_ref[...], 0.0)
    zn = jnp.sqrt(jnp.sum(z * z, axis=1, keepdims=True))
    zn = jnp.where(zn == 0.0, 1.0, zn)
    h0n = z / zn
    z2 = jnp.maximum(_dot(h0n, wwa1_ref[...]) + _dot(wnl_ref[...], wwb1_ref[...])
                     + wb1_ref[...], 0.0)
    z2n = jnp.sqrt(jnp.sum(z2 * z2, axis=1, keepdims=True))
    z2n = jnp.where(z2n == 0.0, 1.0, z2n)
    f = z2 / z2n
    hid = jnp.maximum(_dot(f, g1w_ref[...]) + g1b_ref[...], 0.0)
    out_ref[...] = _dot(hid, g2w_ref[...])


def _pad_idx(x):
    n = x.shape[0]
    m = -(-n // _TILE_STRIDE) * _TILE_STRIDE
    p = m - n
    if p:
        x = jnp.concatenate([x, jnp.zeros((p,), jnp.int32)])
    return x.reshape(-1, _CHUNK)


_full2 = lambda i: (0, 0)


def _wspec(shape):
    return pl.BlockSpec(shape, _full2)


def kernel(items, sparse_indices, dense_values, neighbors_h1,
           neighbor_sparse_h1, neighbor_dense_h1, neighbors_h2,
           neighbor_sparse_h2, neighbor_dense_h2, offsets_h1, offsets_h2,
           weights_h1, weights_h2, item_embeds, sparse_embeds, dense_embeds,
           item_proj_w, item_proj_b, q_w0, q_b0, q_w1, q_b1, w_w0, w_b0,
           w_w1, w_b1, g1_w, g1_b, g2_w):
    wsp = item_proj_w[: 2 * D]
    pwd = item_proj_w[2 * D: 3 * D]
    wit = item_proj_w[3 * D:]
    pb = item_proj_b.reshape(1, D)
    qb0 = q_b0.reshape(1, D)
    qb1 = q_b1.reshape(1, D)
    wb0 = w_b0.reshape(1, D)
    wb1 = w_b1.reshape(1, D)
    g1b = g1_b.reshape(1, D)
    wwa0, wwb0 = w_w0[:D], w_w0[D:]
    wwa1, wwb1 = w_w1[:D], w_w1[D:]

    spi2 = _pad_idx(neighbor_sparse_h2.reshape(-1))
    iti2 = _pad_idx(neighbors_h2)
    spi1 = _pad_idx(neighbor_sparse_h1.reshape(-1))
    iti1 = _pad_idx(neighbors_h1)
    spi0 = _pad_idx(sparse_indices.reshape(-1))
    iti0 = _pad_idx(items)

    sp2r, it2r, sp1r, it1r, sp0r, it0r = _sc_gather_multi(
        [(spi2, sparse_embeds), (iti2, item_embeds),
         (spi1, sparse_embeds), (iti1, item_embeds),
         (spi0, sparse_embeds), (iti0, item_embeds)])

    sp0v = sp0r.reshape(-1, 2 * D)
    sp1v = sp1r.reshape(-1, 2 * D)
    sp2v = sp2r.reshape(-1, 2 * D)

    dv0 = dense_values.reshape(-1)
    dv1 = neighbor_dense_h1.reshape(-1)
    dv2 = neighbor_dense_h2.reshape(-1)

    r2 = 2560
    g2 = N2 // r2
    mask = _bag_mask(r2)
    wn1 = pl.pallas_call(
        _k1_body,
        grid=(g2,),
        in_specs=[
            pl.BlockSpec((r2, 2 * D), lambda i: (i, 0)),
            pl.BlockSpec((r2, D), lambda i: (i, 0)),
            pl.BlockSpec((1, 1, r2), lambda i: (i, 0, 0)),
            pl.BlockSpec((1, 1, r2), lambda i: (i, 0, 0)),
            _wspec((r2 // T, r2)),
            _wspec((2 * D, D)), _wspec((D, D)), _wspec((D, D)),
            _wspec((1, D)), _wspec((1, D)), _wspec((D, D)), _wspec((1, D)),
        ],
        out_specs=pl.BlockSpec((r2 // T, D), lambda i: (i, 0)),
        out_shape=jax.ShapeDtypeStruct((N1, D), jnp.float32),
    )(sp2v, it2r, dv2.reshape(g2, 1, r2), weights_h2.reshape(g2, 1, r2),
      mask, wsp, wit, pwd, dense_embeds, pb, q_w0, qb0)

    r1 = 2560
    g1 = N1 // r1
    wn0, wnl = pl.pallas_call(
        _k2_body,
        grid=(g1,),
        in_specs=[
            pl.BlockSpec((r1, 2 * D), lambda i: (i, 0)),
            pl.BlockSpec((r1, D), lambda i: (i, 0)),
            pl.BlockSpec((1, 1, r1), lambda i: (i, 0, 0)),
            pl.BlockSpec((1, 1, r1), lambda i: (i, 0, 0)),
            _wspec((r1 // T, r1)),
            pl.BlockSpec((r1, D), lambda i: (i, 0)),
            _wspec((2 * D, D)), _wspec((D, D)), _wspec((D, D)),
            _wspec((1, D)), _wspec((1, D)), _wspec((D, D)), _wspec((1, D)),
            _wspec((D, D)), _wspec((D, D)), _wspec((1, D)),
            _wspec((D, D)), _wspec((1, D)),
        ],
        out_specs=[
            pl.BlockSpec((r1 // T, D), lambda i: (i, 0)),
            pl.BlockSpec((r1 // T, D), lambda i: (i, 0)),
        ],
        out_shape=[
            jax.ShapeDtypeStruct((B, D), jnp.float32),
            jax.ShapeDtypeStruct((B, D), jnp.float32),
        ],
    )(sp1v, it1r, dv1.reshape(g1, 1, r1), weights_h1.reshape(g1, 1, r1),
      mask, wn1, wsp, wit, pwd, dense_embeds, pb, q_w0, qb0, wwa0, wwb0,
      wb0, q_w1, qb1)

    out = pl.pallas_call(
        _k3_body,
        grid=(1,),
        in_specs=[
            pl.BlockSpec((B, 2 * D), _full2),
            pl.BlockSpec((B, D), _full2),
            pl.BlockSpec((1, 1, B), lambda i: (0, 0, 0)),
            pl.BlockSpec((B, D), _full2),
            pl.BlockSpec((B, D), _full2),
            _wspec((2 * D, D)), _wspec((D, D)), _wspec((D, D)),
            _wspec((1, D)), _wspec((1, D)),
            _wspec((D, D)), _wspec((D, D)), _wspec((1, D)),
            _wspec((D, D)), _wspec((D, D)), _wspec((1, D)),
            _wspec((D, D)), _wspec((1, D)), _wspec((D, D)),
        ],
        out_specs=pl.BlockSpec((B, D), _full2),
        out_shape=jax.ShapeDtypeStruct((B, D), jnp.float32),
    )(sp0v, it0r, dv0.reshape(1, 1, B), wn0, wnl, wsp, wit, pwd,
      dense_embeds, pb, wwa0, wwb0, wb0, wwa1, wwb1, wb1, g1_w, g1b, g2_w)

    return out

# --- scband reference (transcript-rebuilt; emitter-appended) ---
"""Pipeline reference for scband-pin-sage-model-65008624992766 (READ-ONLY COPY).

The authoritative reference and input builder live on the scoring server;
editing this copy changes nothing except your own understanding.
"""

import jax, jax.numpy as jnp
import numpy as np

B = 1024
T = 10
N1 = B * T
N2 = N1 * T
D = 64
N_ITEMS = 100000
SPARSE_SIZE = 100000
N_SPARSE = 2
N_DENSE = 1
IN_DIM = (3 + 1) * D  # (len(item_col)+1) * embed_size
NUM_LAYERS = 2


def _glorot(key, shape, gain=1.0):
    fan_in, fan_out = shape[0], shape[-1]
    lim = gain * (6.0 / (fan_in + fan_out)) ** 0.5
    return jax.random.uniform(key, shape, jnp.float32, -lim, lim)


def setup_inputs(seed: int = 0) -> dict:
    key = jax.random.key(seed)
    ks = jax.random.split(key, 32)
    inp = {}
    # forward args
    inp["items"] = jax.random.randint(ks[0], (B,), 0, N_ITEMS, dtype=jnp.int32)
    inp["sparse_indices"] = jax.random.randint(ks[1], (B, N_SPARSE), 0, SPARSE_SIZE, dtype=jnp.int32)
    inp["dense_values"] = jax.random.uniform(ks[2], (B, N_DENSE), jnp.float32)
    inp["neighbors_h1"] = jax.random.randint(ks[3], (N1,), 0, N_ITEMS, dtype=jnp.int32)
    inp["neighbor_sparse_h1"] = jax.random.randint(ks[4], (N1, N_SPARSE), 0, SPARSE_SIZE, dtype=jnp.int32)
    inp["neighbor_dense_h1"] = jax.random.uniform(ks[5], (N1, N_DENSE), jnp.float32)
    inp["neighbors_h2"] = jax.random.randint(ks[6], (N2,), 0, N_ITEMS, dtype=jnp.int32)
    inp["neighbor_sparse_h2"] = jax.random.randint(ks[7], (N2, N_SPARSE), 0, SPARSE_SIZE, dtype=jnp.int32)
    inp["neighbor_dense_h2"] = jax.random.uniform(ks[8], (N2, N_DENSE), jnp.float32)
    inp["offsets_h1"] = jnp.arange(B, dtype=jnp.int32) * T
    inp["offsets_h2"] = jnp.arange(N1, dtype=jnp.int32) * T
    inp["weights_h1"] = jax.random.uniform(ks[9], (N1,), jnp.float32)
    inp["weights_h2"] = jax.random.uniform(ks[10], (N2,), jnp.float32)
    # learned parameters
    inp["item_embeds"] = _glorot(ks[11], (N_ITEMS, D))
    inp["sparse_embeds"] = _glorot(ks[12], (SPARSE_SIZE, D))
    inp["dense_embeds"] = _glorot(ks[13], (N_DENSE, D))
    inp["item_proj_w"] = _glorot(ks[14], (IN_DIM, D))
    inp["item_proj_b"] = jnp.zeros((D,), jnp.float32)
    g = 2.0 ** 0.5  # relu gain
    inp["q_w0"] = _glorot(ks[15], (D, D), g)
    inp["q_b0"] = jnp.zeros((D,), jnp.float32)
    inp["q_w1"] = _glorot(ks[16], (D, D), g)
    inp["q_b1"] = jnp.zeros((D,), jnp.float32)
    inp["w_w0"] = _glorot(ks[17], (2 * D, D), g)
    inp["w_b0"] = jnp.zeros((D,), jnp.float32)
    inp["w_w1"] = _glorot(ks[18], (2 * D, D), g)
    inp["w_b1"] = jnp.zeros((D,), jnp.float32)
    inp["g1_w"] = _glorot(ks[19], (D, D), g)
    inp["g1_b"] = jnp.zeros((D,), jnp.float32)
    inp["g2_w"] = _glorot(ks[20], (D, D))
    return inp


def _raw_features(ids, sp, dv, item_embeds, sparse_embeds, dense_embeds, pw, pb):
    n = ids.shape[0]
    sparse_feat = jnp.take(sparse_embeds, sp, axis=0).reshape(n, -1)
    dense_feat = (dense_embeds[None, :, :] * dv[:, :, None]).reshape(n, -1)
    item_feat = jnp.take(item_embeds, ids, axis=0)
    concat = jnp.concatenate([sparse_feat, dense_feat, item_feat], axis=1)
    return concat @ pw + pb


def _embedding_bag_sum(nb_emb, offsets, w, num_bags):
    seg = jnp.searchsorted(offsets, jnp.arange(nb_emb.shape[0]), side='right') - 1
    return jax.ops.segment_sum(w[:, None] * nb_emb, seg, num_segments=num_bags)


def _forward(kw):
    rf = lambda ids, sp, dv: _raw_features(ids, sp, dv, kw["item_embeds"], kw["sparse_embeds"], kw["dense_embeds"], kw["item_proj_w"], kw["item_proj_b"])
    hidden = [
        rf(kw["items"], kw["sparse_indices"], kw["dense_values"]),
        rf(kw["neighbors_h1"], kw["neighbor_sparse_h1"], kw["neighbor_dense_h1"]),
        rf(kw["neighbors_h2"], kw["neighbor_sparse_h2"], kw["neighbor_dense_h2"]),
    ]
    offsets = [kw["offsets_h1"], kw["offsets_h2"]]
    weights = [kw["weights_h1"], kw["weights_h2"]]
    q_lin = [(kw["q_w0"], kw["q_b0"]), (kw["q_w1"], kw["q_b1"])]
    w_lin = [(kw["w_w0"], kw["w_b0"]), (kw["w_w1"], kw["w_b1"])]
    for layer in range(NUM_LAYERS):
        qw, qb = q_lin[layer]
        ww, wb = w_lin[layer]
        next_hidden = []
        depth = NUM_LAYERS - layer
        for k in range(depth):
            cur = hidden[k]
            nb = jax.nn.relu(hidden[k + 1] @ qw + qb)  # dropout is identity in eval
            wn = _embedding_bag_sum(nb, offsets[k], weights[k], cur.shape[0])
            z = jax.nn.relu(jnp.concatenate([cur, wn], axis=1) @ ww + wb)
            zn = jnp.linalg.norm(z, axis=1, keepdims=True)
            zn = jnp.where(zn == 0, jnp.float32(1.0), zn)
            next_hidden.append(z / zn)
        hidden = next_hidden
    return jax.nn.relu(hidden[0] @ kw["g1_w"] + kw["g1_b"]) @ kw["g2_w"]


def reference(items, sparse_indices, dense_values, neighbors_h1, neighbor_sparse_h1,
              neighbor_dense_h1, neighbors_h2, neighbor_sparse_h2, neighbor_dense_h2,
              offsets_h1, offsets_h2, weights_h1, weights_h2, item_embeds,
              sparse_embeds, dense_embeds, item_proj_w, item_proj_b, q_w0, q_b0,
              q_w1, q_b1, w_w0, w_b0, w_w1, w_b1, g1_w, g1_b, g2_w):
    kw = {
        "items": items,
        "sparse_indices": sparse_indices,
        "dense_values": dense_values,
        "neighbors_h1": neighbors_h1,
        "neighbor_sparse_h1": neighbor_sparse_h1,
        "neighbor_dense_h1": neighbor_dense_h1,
        "neighbors_h2": neighbors_h2,
        "neighbor_sparse_h2": neighbor_sparse_h2,
        "neighbor_dense_h2": neighbor_dense_h2,
        "offsets_h1": offsets_h1,
        "offsets_h2": offsets_h2,
        "weights_h1": weights_h1,
        "weights_h2": weights_h2,
        "item_embeds": item_embeds,
        "sparse_embeds": sparse_embeds,
        "dense_embeds": dense_embeds,
        "item_proj_w": item_proj_w,
        "item_proj_b": item_proj_b,
        "q_w0": q_w0,
        "q_b0": q_b0,
        "q_w1": q_w1,
        "q_b1": q_b1,
        "w_w0": w_w0,
        "w_b0": w_b0,
        "w_w1": w_w1,
        "w_b1": w_b1,
        "g1_w": g1_w,
        "g1_b": g1_b,
        "g2_w": g2_w,
    }
    return _forward(kw)

if __name__ == "__main__":
    import jax
    _d = setup_inputs()
    print(jax.jit(kernel)(*tuple(_d.values())))

</pallas_src>

<mosaic_0001>
#map = affine_map<(d0, d1) -> (0, 0)>
module attributes {stable_mosaic.version = 14 : i64} {
  func.func @body(%arg0: i32, %arg1: i32, %arg2: memref<1600x128xi32, #tpu.memory_space<hbm>>, %arg3: memref<800x128xi32, #tpu.memory_space<hbm>>, %arg4: memref<160x128xi32, #tpu.memory_space<hbm>>, %arg5: memref<96x128xi32, #tpu.memory_space<hbm>>, %arg6: memref<32x128xi32, #tpu.memory_space<hbm>>, %arg7: memref<32x128xi32, #tpu.memory_space<hbm>>, %arg8: memref<100000x64xf32, #tpu.memory_space<hbm>>, %arg9: memref<100000x64xf32, #tpu.memory_space<hbm>>, %arg10: memref<100000x64xf32, #tpu.memory_space<hbm>>, %arg11: memref<100000x64xf32, #tpu.memory_space<hbm>>, %arg12: memref<100000x64xf32, #tpu.memory_space<hbm>>, %arg13: memref<100000x64xf32, #tpu.memory_space<hbm>>, %arg14: memref<204800x64xf32, #tpu.memory_space<hbm>>, %arg15: memref<102400x64xf32, #tpu.memory_space<hbm>>, %arg16: memref<20480x64xf32, #tpu.memory_space<hbm>>, %arg17: memref<12288x64xf32, #tpu.memory_space<hbm>>, %arg18: memref<4096x64xf32, #tpu.memory_space<hbm>>, %arg19: memref<4096x64xf32, #tpu.memory_space<hbm>>, %arg20: memref<50x128xi32, #tpu.memory_space<vmem>>, %arg21: memref<128x64xf32, #tpu.memory_space<vmem>>, %arg22: memref<128x64xf32, #tpu.memory_space<vmem>>, %arg23: memref<!tpu.dma_semaphore, #tpu.memory_space<semaphore_mem>>, %arg24: memref<!tpu.dma_semaphore, #tpu.memory_space<semaphore_mem>>) attributes {dimension_semantics = [#tpu.dimension_semantics<core_parallel>, #tpu.dimension_semantics<subcore_parallel>], iteration_bounds = array<i64: 2, 16>, scalar_prefetch = 0 : i64, scratch_operands = 5 : i64, tpu.core_type = #tpu.core_type<sc_vector_subcore>, window_params = [{transform_indices = #map}, {transform_indices = #map}, {transform_indices = #map}, {transform_indices = #map}, {transform_indices = #map}, {transform_indices = #map}, {transform_indices = #map}, {transform_indices = #map}, {transform_indices = #map}, {transform_indices = #map}, {transform_indices = #map}, {transform_indices = #map}, {transform_indices = #map}, {transform_indices = #map}, {transform_indices = #map}, {transform_indices = #map}, {transform_indices = #map}, {transform_indices = #map}]} {
    %mul3A = arith.constant 2 : i32
    %mul3A_0 = arith.muli %arg1, %mul3A : i32
    %add3A = arith.addi %mul3A_0, %arg0 : i32
    %mul3A_1 = arith.constant 50 : i32
    %mul3A_2 = arith.muli %add3A, %mul3A_1 : i32
    %mul3A_3 = arith.constant 128 : i32
    %mul3A_4 = arith.muli %mul3A_2, %mul3A_3 : i32
    "tpu.region"() ({
      %run_scoped3A = tpu.sem_alloc : memref<!tpu.dma_semaphore, #tpu.memory_space<semaphore_mem>>
      %dma_start3A_172 = arith.constant 0 : i32
      %dma_start3A_173 = arith.constant 0 : i32
      %dma_start3A_174 = tpu.memref_slice %arg20[%dma_start3A_172, %dma_start3A_173] : memref<50x128xi32, #tpu.memory_space<vmem>> -> memref<50x128xi32, #tpu.memory_space<vmem>>
      %dma_start3A_175 = arith.constant 0 : i32
      %dma_start3A_176 = tpu.memref_slice %arg2[%mul3A_2, %dma_start3A_175] : memref<1600x128xi32, #tpu.memory_space<hbm>> -> memref<50x128xi32, #tpu.memory_space<hbm>>
      %dma_start3A_177 = arith.constant 0 : i32
      %dma_start3A_178 = arith.constant 0 : i32
      %dma_start3A_179 = tpu.memref_slice %arg20[%dma_start3A_177, %dma_start3A_178] : memref<50x128xi32, #tpu.memory_space<vmem>> -> memref<50x128xi32, #tpu.memory_space<vmem>>
      %dma_start3A_180 = arith.constant 0 : i32
      %dma_start3A_181 = tpu.memref_slice %arg2[%mul3A_2, %dma_start3A_180] : memref<1600x128xi32, #tpu.memory_space<hbm>> -> memref<50x128xi32, #tpu.memory_space<hbm>>
      tpu.enqueue_dma source(%dma_start3A_181 : memref<50x128xi32, #tpu.memory_space<hbm>>) target(%dma_start3A_179 : memref<50x128xi32, #tpu.memory_space<vmem>>) target_semaphore(%run_scoped3A : memref<!tpu.dma_semaphore, #tpu.memory_space<semaphore_mem>>)
      %dma_wait3A_182 = arith.constant 0 : i32
      %dma_wait3A_183 = arith.constant 0 : i32
      %dma_wait3A_184 = tpu.memref_slice %arg20[%dma_wait3A_182, %dma_wait3A_183] : memref<50x128xi32, #tpu.memory_space<vmem>> -> memref<50x128xi32, #tpu.memory_space<vmem>>
      %dma_wait3A_185 = arith.constant 0 : i32
      %dma_wait3A_186 = tpu.memref_slice %arg2[%mul3A_2, %dma_wait3A_185] : memref<1600x128xi32, #tpu.memory_space<hbm>> -> memref<50x128xi32, #tpu.memory_space<hbm>>
      %dma_wait3A_187 = arith.constant 0 : i32
      %dma_wait3A_188 = arith.constant 0 : i32
      %dma_wait3A_189 = tpu.memref_slice %arg20[%dma_wait3A_187, %dma_wait3A_188] : memref<50x128xi32, #tpu.memory_space<vmem>> -> memref<50x128xi32, #tpu.memory_space<vmem>>
      %dma_wait3A_190 = arith.constant 0 : i32
      %dma_wait3A_191 = tpu.memref_slice %arg2[%mul3A_2, %dma_wait3A_190] : memref<1600x128xi32, #tpu.memory_space<hbm>> -> memref<50x128xi32, #tpu.memory_space<hbm>>
      tpu.wait_dma2 semaphore(%run_scoped3A : memref<!tpu.dma_semaphore, #tpu.memory_space<semaphore_mem>>) src(%dma_wait3A_191 : memref<50x128xi32, #tpu.memory_space<hbm>>) dst(%dma_wait3A_189 : memref<50x128xi32, #tpu.memory_space<vmem>>)
      tpu.yield
    }) : () -> ()
    %dma_start3A = arith.constant 0 : i32
    %dma_start3A_5 = arith.constant 0 : i32
    %dma_start3A_6 = tpu.memref_slice %arg20[%dma_start3A, %dma_start3A_5] : memref<50x128xi32, #tpu.memory_space<vmem>> -> memref<1x128xi32, #tpu.memory_space<vmem>>
    %dma_start3A_7 = tpu.memref_squeeze %dma_start3A_6 : memref<1x128xi32, #tpu.memory_space<vmem>> -> memref<128xi32, #tpu.memory_space<vmem>>
    %dma_start3A_8 = arith.constant 0 : i32
    %dma_start3A_9 = arith.constant 0 : i32
    %dma_start3A_10 = tpu.memref_slice %arg8[%dma_start3A_8, %dma_start3A_9] : memref<100000x64xf32, #tpu.memory_space<hbm>> -> memref<100000x64xf32, #tpu.memory_space<hbm>>
    tpu.enqueue_indirect_dma source(%dma_start3A_10 : memref<100000x64xf32, #tpu.memory_space<hbm>>) target(%arg21 : memref<128x64xf32, #tpu.memory_space<vmem>>) offsets(%dma_start3A_7 : memref<128xi32, #tpu.memory_space<vmem>>) semaphore(%arg23 : memref<!tpu.dma_semaphore, #tpu.memory_space<semaphore_mem>>)
    %dma_start3A_11 = arith.constant 1 : i32
    %dma_start3A_12 = arith.constant 0 : i32
    %dma_start3A_13 = tpu.memref_slice %arg20[%dma_start3A_11, %dma_start3A_12] : memref<50x128xi32, #tpu.memory_space<vmem>> -> memref<1x128xi32, #tpu.memory_space<vmem>>
    %dma_start3A_14 = tpu.memref_squeeze %dma_start3A_13 : memref<1x128xi32, #tpu.memory_space<vmem>> -> memref<128xi32, #tpu.memory_space<vmem>>
    %dma_start3A_15 = arith.constant 0 : i32
    %dma_start3A_16 = arith.constant 0 : i32
    %dma_start3A_17 = tpu.memref_slice %arg8[%dma_start3A_15, %dma_start3A_16] : memref<100000x64xf32, #tpu.memory_space<hbm>> -> memref<100000x64xf32, #tpu.memory_space<hbm>>
    tpu.enqueue_indirect_dma source(%dma_start3A_17 : memref<100000x64xf32, #tpu.memory_space<hbm>>) target(%arg22 : memref<128x64xf32, #tpu.memory_space<vmem>>) offsets(%dma_start3A_14 : memref<128xi32, #tpu.memory_space<vmem>>) semaphore(%arg24 : memref<!tpu.dma_semaphore, #tpu.memory_space<semaphore_mem>>)
    %scan3A = arith.constant 0 : i32
    %scan3A_18 = arith.constant 0 : i32
    %scan3A_19 = arith.constant 25 : i32
    %scan3A_20 = arith.addi %scan3A_18, %scan3A_19 : i32
    %scan3A_21 = arith.constant 1 : i32
    scf.for %scan3A_172 = %scan3A_18 to %scan3A_20 step %scan3A_21  : i32 {
      %mul3A_173 = arith.constant 2 : i32
      %mul3A_174 = arith.muli %mul3A_173, %scan3A_172 : i32
      %dma_wait3A_175 = arith.constant 0 : i32
      %dma_wait3A_176 = tpu.memref_slice %arg14[%mul3A_4, %dma_wait3A_175] : memref<204800x64xf32, #tpu.memory_space<hbm>> -> memref<128x64xf32, #tpu.memory_space<hbm>>
      %dma_wait3A_177 = arith.constant 0 : i32
      %dma_wait3A_178 = tpu.memref_slice %arg14[%mul3A_4, %dma_wait3A_177] : memref<204800x64xf32, #tpu.memory_space<hbm>> -> memref<128x64xf32, #tpu.memory_space<hbm>>
      tpu.wait_dma2 semaphore(%arg23 : memref<!tpu.dma_semaphore, #tpu.memory_space<semaphore_mem>>) src(%dma_wait3A_178 : memref<128x64xf32, #tpu.memory_space<hbm>>) dst(%arg21 : memref<128x64xf32, #tpu.memory_space<vmem>>)
      %mul3A_179 = arith.constant 128 : i32
      %mul3A_180 = arith.muli %mul3A_174, %mul3A_179 : i32
      %add3A_181 = arith.addi %mul3A_4, %mul3A_180 : i32
      "tpu.region"() ({
        %run_scoped3A = tpu.sem_alloc : memref<!tpu.dma_semaphore, #tpu.memory_space<semaphore_mem>>
        %dma_start3A_205 = arith.constant 0 : i32
        %dma_start3A_206 = tpu.memref_slice %arg14[%add3A_181, %dma_start3A_205] : memref<204800x64xf32, #tpu.memory_space<hbm>> -> memref<128x64xf32, #tpu.memory_space<hbm>>
        %dma_start3A_207 = arith.constant 0 : i32
        %dma_start3A_208 = tpu.memref_slice %arg14[%add3A_181, %dma_start3A_207] : memref<204800x64xf32, #tpu.memory_space<hbm>> -> memref<128x64xf32, #tpu.memory_space<hbm>>
        tpu.enqueue_dma source(%arg21 : memref<128x64xf32, #tpu.memory_space<vmem>>) target(%dma_start3A_208 : memref<128x64xf32, #tpu.memory_space<hbm>>) target_semaphore(%run_scoped3A : memref<!tpu.dma_semaphore, #tpu.memory_space<semaphore_mem>>)
        %dma_wait3A_209 = arith.constant 0 : i32
        %dma_wait3A_210 = tpu.memref_slice %arg14[%add3A_181, %dma_wait3A_209] : memref<204800x64xf32, #tpu.memory_space<hbm>> -> memref<128x64xf32, #tpu.memory_space<hbm>>
        %dma_wait3A_211 = arith.constant 0 : i32
        %dma_wait3A_212 = tpu.memref_slice %arg14[%add3A_181, %dma_wait3A_211] : memref<204800x64xf32, #tpu.memory_space<hbm>> -> memref<128x64xf32, #tpu.memory_space<hbm>>
        tpu.wait_dma2 semaphore(%run_scoped3A : memref<!tpu.dma_semaphore, #tpu.memory_space<semaphore_mem>>) src(%arg21 : memref<128x64xf32, #tpu.memory_space<vmem>>) dst(%dma_wait3A_212 : memref<128x64xf32, #tpu.memory_space<hbm>>)
        tpu.yield
      }) : () -> ()
      %add3A_182 = arith.constant 2 : i32
      %add3A_183 = arith.addi %mul3A_174, %add3A_182 : i32
      %lt3A_184 = arith.constant 50 : i32
      %lt3A_185 = arith.cmpi slt, %add3A_183, %lt3A_184 : i32
      %convert_element_type3A_186 = arith.extui %lt3A_185 : i1 to i32
      %cond3A_187 = arith.constant 0 : i32
      %cond3A_188 = arith.cmpi ne, %convert_element_type3A_186, %cond3A_187 : i32
      scf.if %cond3A_188 {
        %add3A_205 = arith.constant 2 : i32
        %add3A_206 = arith.addi %mul3A_174, %add3A_205 : i32
        %dma_start3A_207 = arith.constant 0 : i32
        %dma_start3A_208 = tpu.memref_slice %arg20[%add3A_206, %dma_start3A_207] : memref<50x128xi32, #tpu.memory_space<vmem>> -> memref<1x128xi32, #tpu.memory_space<vmem>>
        %dma_start3A_209 = tpu.memref_squeeze %dma_start3A_208 : memref<1x128xi32, #tpu.memory_space<vmem>> -> memref<128xi32, #tpu.memory_space<vmem>>
        %dma_start3A_210 = arith.constant 0 : i32
        %dma_start3A_211 = arith.constant 0 : i32
        %dma_start3A_212 = tpu.memref_slice %arg8[%dma_start3A_210, %dma_start3A_211] : memref<100000x64xf32, #tpu.memory_space<hbm>> -> memref<100000x64xf32, #tpu.memory_space<hbm>>
        tpu.enqueue_indirect_dma source(%dma_start3A_212 : memref<100000x64xf32, #tpu.memory_space<hbm>>) target(%arg21 : memref<128x64xf32, #tpu.memory_space<vmem>>) offsets(%dma_start3A_209 : memref<128xi32, #tpu.memory_space<vmem>>) semaphore(%arg23 : memref<!tpu.dma_semaphore, #tpu.memory_space<semaphore_mem>>)
      } else {
      }
      %add3A_189 = arith.constant 1 : i32
      %add3A_190 = arith.addi %mul3A_174, %add3A_189 : i32
      %dma_wait3A_191 = arith.constant 0 : i32
      %dma_wait3A_192 = tpu.memref_slice %arg14[%mul3A_4, %dma_wait3A_191] : memref<204800x64xf32, #tpu.memory_space<hbm>> -> memref<128x64xf32, #tpu.memory_space<hbm>>
      %dma_wait3A_193 = arith.constant 0 : i32
      %dma_wait3A_194 = tpu.memref_slice %arg14[%mul3A_4, %dma_wait3A_193] : memref<204800x64xf32, #tpu.memory_space<hbm>> -> memref<128x64xf32, #tpu.memory_space<hbm>>
      tpu.wait_dma2 semaphore(%arg24 : memref<!tpu.dma_semaphore, #tpu.memory_space<semaphore_mem>>) src(%dma_wait3A_194 : memref<128x64xf32, #tpu.memory_space<hbm>>) dst(%arg22 : memref<128x64xf32, #tpu.memory_space<vmem>>)
      %mul3A_195 = arith.constant 128 : i32
      %mul3A_196 = arith.muli %add3A_190, %mul3A_195 : i32
      %add3A_197 = arith.addi %mul3A_4, %mul3A_196 : i32
      "tpu.region"() ({
        %run_scoped3A = tpu.sem_alloc : memref<!tpu.dma_semaphore, #tpu.memory_space<semaphore_mem>>
        %dma_start3A_205 = arith.constant 0 : i32
        %dma_start3A_206 = tpu.memref_slice %arg14[%add3A_197, %dma_start3A_205] : memref<204800x64xf32, #tpu.memory_space<hbm>> -> memref<128x64xf32, #tpu.memory_space<hbm>>
        %dma_start3A_207 = arith.constant 0 : i32
        %dma_start3A_208 = tpu.memref_slice %arg14[%add3A_197, %dma_start3A_207] : memref<204800x64xf32, #tpu.memory_space<hbm>> -> memref<128x64xf32, #tpu.memory_space<hbm>>
        tpu.enqueue_dma source(%arg22 : memref<128x64xf32, #tpu.memory_space<vmem>>) target(%dma_start3A_208 : memref<128x64xf32, #tpu.memory_space<hbm>>) target_semaphore(%run_scoped3A : memref<!tpu.dma_semaphore, #tpu.memory_space<semaphore_mem>>)
        %dma_wait3A_209 = arith.constant 0 : i32
        %dma_wait3A_210 = tpu.memref_slice %arg14[%add3A_197, %dma_wait3A_209] : memref<204800x64xf32, #tpu.memory_space<hbm>> -> memref<128x64xf32, #tpu.memory_space<hbm>>
        %dma_wait3A_211 = arith.constant 0 : i32
        %dma_wait3A_212 = tpu.memref_slice %arg14[%add3A_197, %dma_wait3A_211] : memref<204800x64xf32, #tpu.memory_space<hbm>> -> memref<128x64xf32, #tpu.memory_space<hbm>>
        tpu.wait_dma2 semaphore(%run_scoped3A : memref<!tpu.dma_semaphore, #tpu.memory_space<semaphore_mem>>) src(%arg22 : memref<128x64xf32, #tpu.memory_space<vmem>>) dst(%dma_wait3A_212 : memref<128x64xf32, #tpu.memory_space<hbm>>)
        tpu.yield
      }) : () -> ()
      %add3A_198 = arith.constant 2 : i32
      %add3A_199 = arith.addi %add3A_190, %add3A_198 : i32
      %lt3A_200 = arith.constant 50 : i32
      %lt3A_201 = arith.cmpi slt, %add3A_199, %lt3A_200 : i32
      %convert_element_type3A_202 = arith.extui %lt3A_201 : i1 to i32
      %cond3A_203 = arith.constant 0 : i32
      %cond3A_204 = arith.cmpi ne, %convert_element_type3A_202, %cond3A_203 : i32
      scf.if %cond3A_204 {
        %add3A_205 = arith.constant 2 : i32
        %add3A_206 = arith.addi %add3A_190, %add3A_205 : i32
        %dma_start3A_207 = arith.constant 0 : i32
        %dma_start3A_208 = tpu.memref_slice %arg20[%add3A_206, %dma_start3A_207] : memref<50x128xi32, #tpu.memory_space<vmem>> -> memref<1x128xi32, #tpu.memory_space<vmem>>
        %dma_start3A_209 = tpu.memref_squeeze %dma_start3A_208 : memref<1x128xi32, #tpu.memory_space<vmem>> -> memref<128xi32, #tpu.memory_space<vmem>>
        %dma_start3A_210 = arith.constant 0 : i32
        %dma_start3A_211 = arith.constant 0 : i32
        %dma_start3A_212 = tpu.memref_slice %arg8[%dma_start3A_210, %dma_start3A_211] : memref<100000x64xf32, #tpu.memory_space<hbm>> -> memref<100000x64xf32, #tpu.memory_space<hbm>>
        tpu.enqueue_indirect_dma source(%dma_start3A_212 : memref<100000x64xf32, #tpu.memory_space<hbm>>) target(%arg22 : memref<128x64xf32, #tpu.memory_space<vmem>>) offsets(%dma_start3A_209 : memref<128xi32, #tpu.memory_space<vmem>>) semaphore(%arg24 : memref<!tpu.dma_semaphore, #tpu.memory_space<semaphore_mem>>)
      } else {
      }
    }
    %scan3A_22 = arith.constant 25 : i32
    %mul3A_23 = arith.constant 25 : i32
    %mul3A_24 = arith.muli %add3A, %mul3A_23 : i32
    %mul3A_25 = arith.constant 128 : i32
    %mul3A_26 = arith.muli %mul3A_24, %mul3A_25 : i32
    "tpu.region"() ({
      %run_scoped3A = tpu.sem_alloc : memref<!tpu.dma_semaphore, #tpu.memory_space<semaphore_mem>>
      %dma_start3A_172 = arith.constant 0 : i32
      %dma_start3A_173 = arith.constant 0 : i32
      %dma_start3A_174 = tpu.memref_slice %arg20[%dma_start3A_172, %dma_start3A_173] : memref<50x128xi32, #tpu.memory_space<vmem>> -> memref<25x128xi32, #tpu.memory_space<vmem>>
      %dma_start3A_175 = arith.constant 0 : i32
      %dma_start3A_176 = tpu.memref_slice %arg3[%mul3A_24, %dma_start3A_175] : memref<800x128xi32, #tpu.memory_space<hbm>> -> memref<25x128xi32, #tpu.memory_space<hbm>>
      %dma_start3A_177 = arith.constant 0 : i32
      %dma_start3A_178 = arith.constant 0 : i32
      %dma_start3A_179 = tpu.memref_slice %arg20[%dma_start3A_177, %dma_start3A_178] : memref<50x128xi32, #tpu.memory_space<vmem>> -> memref<25x128xi32, #tpu.memory_space<vmem>>
      %dma_start3A_180 = arith.constant 0 : i32
      %dma_start3A_181 = tpu.memref_slice %arg3[%mul3A_24, %dma_start3A_180] : memref<800x128xi32, #tpu.memory_space<hbm>> -> memref<25x128xi32, #tpu.memory_space<hbm>>
      tpu.enqueue_dma source(%dma_start3A_181 : memref<25x128xi32, #tpu.memory_space<hbm>>) target(%dma_start3A_179 : memref<25x128xi32, #tpu.memory_space<vmem>>) target_semaphore(%run_scoped3A : memref<!tpu.dma_semaphore, #tpu.memory_space<semaphore_mem>>)
      %dma_wait3A_182 = arith.constant 0 : i32
      %dma_wait3A_183 = arith.constant 0 : i32
      %dma_wait3A_184 = tpu.memref_slice %arg20[%dma_wait3A_182, %dma_wait3A_183] : memref<50x128xi32, #tpu.memory_space<vmem>> -> memref<25x128xi32, #tpu.memory_space<vmem>>
      %dma_wait3A_185 = arith.constant 0 : i32
      %dma_wait3A_186 = tpu.memref_slice %arg3[%mul3A_24, %dma_wait3A_185] : memref<800x128xi32, #tpu.memory_space<hbm>> -> memref<25x128xi32, #tpu.memory_space<hbm>>
      %dma_wait3A_187 = arith.constant 0 : i32
      %dma_wait3A_188 = arith.constant 0 : i32
      %dma_wait3A_189 = tpu.memref_slice %arg20[%dma_wait3A_187, %dma_wait3A_188] : memref<50x128xi32, #tpu.memory_space<vmem>> -> memref<25x128xi32, #tpu.memory_space<vmem>>
      %dma_wait3A_190 = arith.constant 0 : i32
      %dma_wait3A_191 = tpu.memref_slice %arg3[%mul3A_24, %dma_wait3A_190] : memref<800x128xi32, #tpu.memory_space<hbm>> -> memref<25x128xi32, #tpu.memory_space<hbm>>
      tpu.wait_dma2 semaphore(%run_scoped3A : memref<!tpu.dma_semaphore, #tpu.memory_space<semaphore_mem>>) src(%dma_wait3A_191 : memref<25x128xi32, #tpu.memory_space<hbm>>) dst(%dma_wait3A_189 : memref<25x128xi32, #tpu.memory_space<vmem>>)
      tpu.yield
    }) : () -> ()
    %dma_start3A_27 = arith.constant 0 : i32
    %dma_start3A_28 = arith.constant 0 : i32
    %dma_start3A_29 = tpu.memref_slice %arg20[%dma_start3A_27, %dma_start3A_28] : memref<50x128xi32, #tpu.memory_space<vmem>> -> memref<1x128xi32, #tpu.memory_space<vmem>>
    %dma_start3A_30 = tpu.memref_squeeze %dma_start3A_29 : memref<1x128xi32, #tpu.memory_space<vmem>> -> memref<128xi32, #tpu.memory_space<vmem>>
    %dma_start3A_31 = arith.constant 0 : i32
    %dma_start3A_32 = arith.constant 0 : i32
    %dma_start3A_33 = tpu.memref_slice %arg9[%dma_start3A_31, %dma_start3A_32] : memref<100000x64xf32, #tpu.memory_space<hbm>> -> memref<100000x64xf32, #tpu.memory_space<hbm>>
    tpu.enqueue_indirect_dma source(%dma_start3A_33 : memref<100000x64xf32, #tpu.memory_space<hbm>>) target(%arg21 : memref<128x64xf32, #tpu.memory_space<vmem>>) offsets(%dma_start3A_30 : memref<128xi32, #tpu.memory_space<vmem>>) semaphore(%arg23 : memref<!tpu.dma_semaphore, #tpu.memory_space<semaphore_mem>>)
    %dma_start3A_34 = arith.constant 1 : i32
    %dma_start3A_35 = arith.constant 0 : i32
    %dma_start3A_36 = tpu.memref_slice %arg20[%dma_start3A_34, %dma_start3A_35] : memref<50x128xi32, #tpu.memory_space<vmem>> -> memref<1x128xi32, #tpu.memory_space<vmem>>
    %dma_start3A_37 = tpu.memref_squeeze %dma_start3A_36 : memref<1x128xi32, #tpu.memory_space<vmem>> -> memref<128xi32, #tpu.memory_space<vmem>>
    %dma_start3A_38 = arith.constant 0 : i32
    %dma_start3A_39 = arith.constant 0 : i32
    %dma_start3A_40 = tpu.memref_slice %arg9[%dma_start3A_38, %dma_start3A_39] : memref<100000x64xf32, #tpu.memory_space<hbm>> -> memref<100000x64xf32, #tpu.memory_space<hbm>>
    tpu.enqueue_indirect_dma source(%dma_start3A_40 : memref<100000x64xf32, #tpu.memory_space<hbm>>) target(%arg22 : memref<128x64xf32, #tpu.memory_space<vmem>>) offsets(%dma_start3A_37 : memref<128xi32, #tpu.memory_space<vmem>>) semaphore(%arg24 : memref<!tpu.dma_semaphore, #tpu.memory_space<semaphore_mem>>)
    %scan3A_41 = arith.constant 0 : i32
    %scan3A_42 = arith.constant 0 : i32
    %scan3A_43 = arith.constant 12 : i32
    %scan3A_44 = arith.addi %scan3A_42, %scan3A_43 : i32
    %scan3A_45 = arith.constant 1 : i32
    scf.for %scan3A_172 = %scan3A_42 to %scan3A_44 step %scan3A_45  : i32 {
      %mul3A_173 = arith.constant 2 : i32
      %mul3A_174 = arith.muli %mul3A_173, %scan3A_172 : i32
      %dma_wait3A_175 = arith.constant 0 : i32
      %dma_wait3A_176 = tpu.memref_slice %arg15[%mul3A_26, %dma_wait3A_175] : memref<102400x64xf32, #tpu.memory_space<hbm>> -> memref<128x64xf32, #tpu.memory_space<hbm>>
      %dma_wait3A_177 = arith.constant 0 : i32
      %dma_wait3A_178 = tpu.memref_slice %arg15[%mul3A_26, %dma_wait3A_177] : memref<102400x64xf32, #tpu.memory_space<hbm>> -> memref<128x64xf32, #tpu.memory_space<hbm>>
      tpu.wait_dma2 semaphore(%arg23 : memref<!tpu.dma_semaphore, #tpu.memory_space<semaphore_mem>>) src(%dma_wait3A_178 : memref<128x64xf32, #tpu.memory_space<hbm>>) dst(%arg21 : memref<128x64xf32, #tpu.memory_space<vmem>>)
      %mul3A_179 = arith.constant 128 : i32
      %mul3A_180 = arith.muli %mul3A_174, %mul3A_179 : i32
      %add3A_181 = arith.addi %mul3A_26, %mul3A_180 : i32
      "tpu.region"() ({
        %run_scoped3A = tpu.sem_alloc : memref<!tpu.dma_semaphore, #tpu.memory_space<semaphore_mem>>
        %dma_start3A_205 = arith.constant 0 : i32
        %dma_start3A_206 = tpu.memref_slice %arg15[%add3A_181, %dma_start3A_205] : memref<102400x64xf32, #tpu.memory_space<hbm>> -> memref<128x64xf32, #tpu.memory_space<hbm>>
        %dma_start3A_207 = arith.constant 0 : i32
        %dma_start3A_208 = tpu.memref_slice %arg15[%add3A_181, %dma_start3A_207] : memref<102400x64xf32, #tpu.memory_space<hbm>> -> memref<128x64xf32, #tpu.memory_space<hbm>>
        tpu.enqueue_dma source(%arg21 : memref<128x64xf32, #tpu.memory_space<vmem>>) target(%dma_start3A_208 : memref<128x64xf32, #tpu.memory_space<hbm>>) target_semaphore(%run_scoped3A : memref<!tpu.dma_semaphore, #tpu.memory_space<semaphore_mem>>)
        %dma_wait3A_209 = arith.constant 0 : i32
        %dma_wait3A_210 = tpu.memref_slice %arg15[%add3A_181, %dma_wait3A_209] : memref<102400x64xf32, #tpu.memory_space<hbm>> -> memref<128x64xf32, #tpu.memory_space<hbm>>
        %dma_wait3A_211 = arith.constant 0 : i32
        %dma_wait3A_212 = tpu.memref_slice %arg15[%add3A_181, %dma_wait3A_211] : memref<102400x64xf32, #tpu.memory_space<hbm>> -> memref<128x64xf32, #tpu.memory_space<hbm>>
        tpu.wait_dma2 semaphore(%run_scoped3A : memref<!tpu.dma_semaphore, #tpu.memory_space<semaphore_mem>>) src(%arg21 : memref<128x64xf32, #tpu.memory_space<vmem>>) dst(%dma_wait3A_212 : memref<128x64xf32, #tpu.memory_space<hbm>>)
        tpu.yield
      }) : () -> ()
      %add3A_182 = arith.constant 2 : i32
      %add3A_183 = arith.addi %mul3A_174, %add3A_182 : i32
      %lt3A_184 = arith.constant 25 : i32
      %lt3A_185 = arith.cmpi slt, %add3A_183, %lt3A_184 : i32
      %convert_element_type3A_186 = arith.extui %lt3A_185 : i1 to i32
      %cond3A_187 = arith.constant 0 : i32
      %cond3A_188 = arith.cmpi ne, %convert_element_type3A_186, %cond3A_187 : i32
      scf.if %cond3A_188 {
        %add3A_205 = arith.constant 2 : i32
        %add3A_206 = arith.addi %mul3A_174, %add3A_205 : i32
        %dma_start3A_207 = arith.constant 0 : i32
        %dma_start3A_208 = tpu.memref_slice %arg20[%add3A_206, %dma_start3A_207] : memref<50x128xi32, #tpu.memory_space<vmem>> -> memref<1x128xi32, #tpu.memory_space<vmem>>
        %dma_start3A_209 = tpu.memref_squeeze %dma_start3A_208 : memref<1x128xi32, #tpu.memory_space<vmem>> -> memref<128xi32, #tpu.memory_space<vmem>>
        %dma_start3A_210 = arith.constant 0 : i32
        %dma_start3A_211 = arith.constant 0 : i32
        %dma_start3A_212 = tpu.memref_slice %arg9[%dma_start3A_210, %dma_start3A_211] : memref<100000x64xf32, #tpu.memory_space<hbm>> -> memref<100000x64xf32, #tpu.memory_space<hbm>>
        tpu.enqueue_indirect_dma source(%dma_start3A_212 : memref<100000x64xf32, #tpu.memory_space<hbm>>) target(%arg21 : memref<128x64xf32, #tpu.memory_space<vmem>>) offsets(%dma_start3A_209 : memref<128xi32, #tpu.memory_space<vmem>>) semaphore(%arg23 : memref<!tpu.dma_semaphore, #tpu.memory_space<semaphore_mem>>)
      } else {
      }
      %add3A_189 = arith.constant 1 : i32
      %add3A_190 = arith.addi %mul3A_174, %add3A_189 : i32
      %dma_wait3A_191 = arith.constant 0 : i32
      %dma_wait3A_192 = tpu.memref_slice %arg15[%mul3A_26, %dma_wait3A_191] : memref<102400x64xf32, #tpu.memory_space<hbm>> -> memref<128x64xf32, #tpu.memory_space<hbm>>
      %dma_wait3A_193 = arith.constant 0 : i32
      %dma_wait3A_194 = tpu.memref_slice %arg15[%mul3A_26, %dma_wait3A_193] : memref<102400x64xf32, #tpu.memory_space<hbm>> -> memref<128x64xf32, #tpu.memory_space<hbm>>
      tpu.wait_dma2 semaphore(%arg24 : memref<!tpu.dma_semaphore, #tpu.memory_space<semaphore_mem>>) src(%dma_wait3A_194 : memref<128x64xf32, #tpu.memory_space<hbm>>) dst(%arg22 : memref<128x64xf32, #tpu.memory_space<vmem>>)
      %mul3A_195 = arith.constant 128 : i32
      %mul3A_196 = arith.muli %add3A_190, %mul3A_195 : i32
      %add3A_197 = arith.addi %mul3A_26, %mul3A_196 : i32
      "tpu.region"() ({
        %run_scoped3A = tpu.sem_alloc : memref<!tpu.dma_semaphore, #tpu.memory_space<semaphore_mem>>
        %dma_start3A_205 = arith.constant 0 : i32
        %dma_start3A_206 = tpu.memref_slice %arg15[%add3A_197, %dma_start3A_205] : memref<102400x64xf32, #tpu.memory_space<hbm>> -> memref<128x64xf32, #tpu.memory_space<hbm>>
        %dma_start3A_207 = arith.constant 0 : i32
        %dma_start3A_208 = tpu.memref_slice %arg15[%add3A_197, %dma_start3A_207] : memref<102400x64xf32, #tpu.memory_space<hbm>> -> memref<128x64xf32, #tpu.memory_space<hbm>>
        tpu.enqueue_dma source(%arg22 : memref<128x64xf32, #tpu.memory_space<vmem>>) target(%dma_start3A_208 : memref<128x64xf32, #tpu.memory_space<hbm>>) target_semaphore(%run_scoped3A : memref<!tpu.dma_semaphore, #tpu.memory_space<semaphore_mem>>)
        %dma_wait3A_209 = arith.constant 0 : i32
        %dma_wait3A_210 = tpu.memref_slice %arg15[%add3A_197, %dma_wait3A_209] : memref<102400x64xf32, #tpu.memory_space<hbm>> -> memref<128x64xf32, #tpu.memory_space<hbm>>
        %dma_wait3A_211 = arith.constant 0 : i32
        %dma_wait3A_212 = tpu.memref_slice %arg15[%add3A_197, %dma_wait3A_211] : memref<102400x64xf32, #tpu.memory_space<hbm>> -> memref<128x64xf32, #tpu.memory_space<hbm>>
        tpu.wait_dma2 semaphore(%run_scoped3A : memref<!tpu.dma_semaphore, #tpu.memory_space<semaphore_mem>>) src(%arg22 : memref<128x64xf32, #tpu.memory_space<vmem>>) dst(%dma_wait3A_212 : memref<128x64xf32, #tpu.memory_space<hbm>>)
        tpu.yield
      }) : () -> ()
      %add3A_198 = arith.constant 2 : i32
      %add3A_199 = arith.addi %add3A_190, %add3A_198 : i32
      %lt3A_200 = arith.constant 25 : i32
      %lt3A_201 = arith.cmpi slt, %add3A_199, %lt3A_200 : i32
      %convert_element_type3A_202 = arith.extui %lt3A_201 : i1 to i32
      %cond3A_203 = arith.constant 0 : i32
      %cond3A_204 = arith.cmpi ne, %convert_element_type3A_202, %cond3A_203 : i32
      scf.if %cond3A_204 {
        %add3A_205 = arith.constant 2 : i32
        %add3A_206 = arith.addi %add3A_190, %add3A_205 : i32
        %dma_start3A_207 = arith.constant 0 : i32
        %dma_start3A_208 = tpu.memref_slice %arg20[%add3A_206, %dma_start3A_207] : memref<50x128xi32, #tpu.memory_space<vmem>> -> memref<1x128xi32, #tpu.memory_space<vmem>>
        %dma_start3A_209 = tpu.memref_squeeze %dma_start3A_208 : memref<1x128xi32, #tpu.memory_space<vmem>> -> memref<128xi32, #tpu.memory_space<vmem>>
        %dma_start3A_210 = arith.constant 0 : i32
        %dma_start3A_211 = arith.constant 0 : i32
        %dma_start3A_212 = tpu.memref_slice %arg9[%dma_start3A_210, %dma_start3A_211] : memref<100000x64xf32, #tpu.memory_space<hbm>> -> memref<100000x64xf32, #tpu.memory_space<hbm>>
        tpu.enqueue_indirect_dma source(%dma_start3A_212 : memref<100000x64xf32, #tpu.memory_space<hbm>>) target(%arg22 : memref<128x64xf32, #tpu.memory_space<vmem>>) offsets(%dma_start3A_209 : memref<128xi32, #tpu.memory_space<vmem>>) semaphore(%arg24 : memref<!tpu.dma_semaphore, #tpu.memory_space<semaphore_mem>>)
      } else {
      }
    }
    %scan3A_46 = arith.constant 12 : i32
    %dma_wait3A = arith.constant 0 : i32
    %dma_wait3A_47 = tpu.memref_slice %arg15[%mul3A_26, %dma_wait3A] : memref<102400x64xf32, #tpu.memory_space<hbm>> -> memref<128x64xf32, #tpu.memory_space<hbm>>
    %dma_wait3A_48 = arith.constant 0 : i32
    %dma_wait3A_49 = tpu.memref_slice %arg15[%mul3A_26, %dma_wait3A_48] : memref<102400x64xf32, #tpu.memory_space<hbm>> -> memref<128x64xf32, #tpu.memory_space<hbm>>
    tpu.wait_dma2 semaphore(%arg23 : memref<!tpu.dma_semaphore, #tpu.memory_space<semaphore_mem>>) src(%dma_wait3A_49 : memref<128x64xf32, #tpu.memory_space<hbm>>) dst(%arg21 : memref<128x64xf32, #tpu.memory_space<vmem>>)
    %add3A_50 = arith.constant 3072 : i32
    %add3A_51 = arith.addi %mul3A_26, %add3A_50 : i32
    "tpu.region"() ({
      %run_scoped3A = tpu.sem_alloc : memref<!tpu.dma_semaphore, #tpu.memory_space<semaphore_mem>>
      %dma_start3A_172 = arith.constant 0 : i32
      %dma_start3A_173 = tpu.memref_slice %arg15[%add3A_51, %dma_start3A_172] : memref<102400x64xf32, #tpu.memory_space<hbm>> -> memref<128x64xf32, #tpu.memory_space<hbm>>
      %dma_start3A_174 = arith.constant 0 : i32
      %dma_start3A_175 = tpu.memref_slice %arg15[%add3A_51, %dma_start3A_174] : memref<102400x64xf32, #tpu.memory_space<hbm>> -> memref<128x64xf32, #tpu.memory_space<hbm>>
      tpu.enqueue_dma source(%arg21 : memref<128x64xf32, #tpu.memory_space<vmem>>) target(%dma_start3A_175 : memref<128x64xf32, #tpu.memory_space<hbm>>) target_semaphore(%run_scoped3A : memref<!tpu.dma_semaphore, #tpu.memory_space<semaphore_mem>>)
      %dma_wait3A_176 = arith.constant 0 : i32
      %dma_wait3A_177 = tpu.memref_slice %arg15[%add3A_51, %dma_wait3A_176] : memref<102400x64xf32, #tpu.memory_space<hbm>> -> memref<128x64xf32, #tpu.memory_space<hbm>>
      %dma_wait3A_178 = arith.constant 0 : i32
      %dma_wait3A_179 = tpu.memref_slice %arg15[%add3A_51, %dma_wait3A_178] : memref<102400x64xf32, #tpu.memory_space<hbm>> -> memref<128x64xf32, #tpu.memory_space<hbm>>
      tpu.wait_dma2 semaphore(%run_scoped3A : memref<!tpu.dma_semaphore, #tpu.memory_space<semaphore_mem>>) src(%arg21 : memref<128x64xf32, #tpu.memory_space<vmem>>) dst(%dma_wait3A_179 : memref<128x64xf32, #tpu.memory_space<hbm>>)
      tpu.yield
    }) : () -> ()
    %mul3A_52 = arith.constant 5 : i32
    %mul3A_53 = arith.muli %add3A, %mul3A_52 : i32
    %mul3A_54 = arith.constant 128 : i32
    %mul3A_55 = arith.muli %mul3A_53, %mul3A_54 : i32
    "tpu.region"() ({
      %run_scoped3A = tpu.sem_alloc : memref<!tpu.dma_semaphore, #tpu.memory_space<semaphore_mem>>
      %dma_start3A_172 = arith.constant 0 : i32
      %dma_start3A_173 = arith.constant 0 : i32
      %dma_start3A_174 = tpu.memref_slice %arg20[%dma_start3A_172, %dma_start3A_173] : memref<50x128xi32, #tpu.memory_space<vmem>> -> memref<5x128xi32, #tpu.memory_space<vmem>>
      %dma_start3A_175 = arith.constant 0 : i32
      %dma_start3A_176 = tpu.memref_slice %arg4[%mul3A_53, %dma_start3A_175] : memref<160x128xi32, #tpu.memory_space<hbm>> -> memref<5x128xi32, #tpu.memory_space<hbm>>
      %dma_start3A_177 = arith.constant 0 : i32
      %dma_start3A_178 = arith.constant 0 : i32
      %dma_start3A_179 = tpu.memref_slice %arg20[%dma_start3A_177, %dma_start3A_178] : memref<50x128xi32, #tpu.memory_space<vmem>> -> memref<5x128xi32, #tpu.memory_space<vmem>>
      %dma_start3A_180 = arith.constant 0 : i32
      %dma_start3A_181 = tpu.memref_slice %arg4[%mul3A_53, %dma_start3A_180] : memref<160x128xi32, #tpu.memory_space<hbm>> -> memref<5x128xi32, #tpu.memory_space<hbm>>
      tpu.enqueue_dma source(%dma_start3A_181 : memref<5x128xi32, #tpu.memory_space<hbm>>) target(%dma_start3A_179 : memref<5x128xi32, #tpu.memory_space<vmem>>) target_semaphore(%run_scoped3A : memref<!tpu.dma_semaphore, #tpu.memory_space<semaphore_mem>>)
      %dma_wait3A_182 = arith.constant 0 : i32
      %dma_wait3A_183 = arith.constant 0 : i32
      %dma_wait3A_184 = tpu.memref_slice %arg20[%dma_wait3A_182, %dma_wait3A_183] : memref<50x128xi32, #tpu.memory_space<vmem>> -> memref<5x128xi32, #tpu.memory_space<vmem>>
      %dma_wait3A_185 = arith.constant 0 : i32
      %dma_wait3A_186 = tpu.memref_slice %arg4[%mul3A_53, %dma_wait3A_185] : memref<160x128xi32, #tpu.memory_space<hbm>> -> memref<5x128xi32, #tpu.memory_space<hbm>>
      %dma_wait3A_187 = arith.constant 0 : i32
      %dma_wait3A_188 = arith.constant 0 : i32
      %dma_wait3A_189 = tpu.memref_slice %arg20[%dma_wait3A_187, %dma_wait3A_188] : memref<50x128xi32, #tpu.memory_space<vmem>> -> memref<5x128xi32, #tpu.memory_space<vmem>>
      %dma_wait3A_190 = arith.constant 0 : i32
      %dma_wait3A_191 = tpu.memref_slice %arg4[%mul3A_53, %dma_wait3A_190] : memref<160x128xi32, #tpu.memory_space<hbm>> -> memref<5x128xi32, #tpu.memory_space<hbm>>
      tpu.wait_dma2 semaphore(%run_scoped3A : memref<!tpu.dma_semaphore, #tpu.memory_space<semaphore_mem>>) src(%dma_wait3A_191 : memref<5x128xi32, #tpu.memory_space<hbm>>) dst(%dma_wait3A_189 : memref<5x128xi32, #tpu.memory_space<vmem>>)
      tpu.yield
    }) : () -> ()
    %dma_start3A_56 = arith.constant 0 : i32
    %dma_start3A_57 = arith.constant 0 : i32
    %dma_start3A_58 = tpu.memref_slice %arg20[%dma_start3A_56, %dma_start3A_57] : memref<50x128xi32, #tpu.memory_space<vmem>> -> memref<1x128xi32, #tpu.memory_space<vmem>>
    %dma_start3A_59 = tpu.memref_squeeze %dma_start3A_58 : memref<1x128xi32, #tpu.memory_space<vmem>> -> memref<128xi32, #tpu.memory_space<vmem>>
    %dma_start3A_60 = arith.constant 0 : i32
    %dma_start3A_61 = arith.constant 0 : i32
    %dma_start3A_62 = tpu.memref_slice %arg10[%dma_start3A_60, %dma_start3A_61] : memref<100000x64xf32, #tpu.memory_space<hbm>> -> memref<100000x64xf32, #tpu.memory_space<hbm>>
    tpu.enqueue_indirect_dma source(%dma_start3A_62 : memref<100000x64xf32, #tpu.memory_space<hbm>>) target(%arg21 : memref<128x64xf32, #tpu.memory_space<vmem>>) offsets(%dma_start3A_59 : memref<128xi32, #tpu.memory_space<vmem>>) semaphore(%arg23 : memref<!tpu.dma_semaphore, #tpu.memory_space<semaphore_mem>>)
    %dma_start3A_63 = arith.constant 1 : i32
    %dma_start3A_64 = arith.constant 0 : i32
    %dma_start3A_65 = tpu.memref_slice %arg20[%dma_start3A_63, %dma_start3A_64] : memref<50x128xi32, #tpu.memory_space<vmem>> -> memref<1x128xi32, #tpu.memory_space<vmem>>
    %dma_start3A_66 = tpu.memref_squeeze %dma_start3A_65 : memref<1x128xi32, #tpu.memory_space<vmem>> -> memref<128xi32, #tpu.memory_space<vmem>>
    %dma_start3A_67 = arith.constant 0 : i32
    %dma_start3A_68 = arith.constant 0 : i32
    %dma_start3A_69 = tpu.memref_slice %arg10[%dma_start3A_67, %dma_start3A_68] : memref<100000x64xf32, #tpu.memory_space<hbm>> -> memref<100000x64xf32, #tpu.memory_space<hbm>>
    tpu.enqueue_indirect_dma source(%dma_start3A_69 : memref<100000x64xf32, #tpu.memory_space<hbm>>) target(%arg22 : memref<128x64xf32, #tpu.memory_space<vmem>>) offsets(%dma_start3A_66 : memref<128xi32, #tpu.memory_space<vmem>>) semaphore(%arg24 : memref<!tpu.dma_semaphore, #tpu.memory_space<semaphore_mem>>)
    %scan3A_70 = arith.constant 0 : i32
    %scan3A_71 = arith.constant 0 : i32
    %scan3A_72 = arith.constant 2 : i32
    %scan3A_73 = arith.addi %scan3A_71, %scan3A_72 : i32
    %scan3A_74 = arith.constant 1 : i32
    scf.for %scan3A_172 = %scan3A_71 to %scan3A_73 step %scan3A_74  : i32 {
      %mul3A_173 = arith.constant 2 : i32
      %mul3A_174 = arith.muli %mul3A_173, %scan3A_172 : i32
      %dma_wait3A_175 = arith.constant 0 : i32
      %dma_wait3A_176 = tpu.memref_slice %arg16[%mul3A_55, %dma_wait3A_175] : memref<20480x64xf32, #tpu.memory_space<hbm>> -> memref<128x64xf32, #tpu.memory_space<hbm>>
      %dma_wait3A_177 = arith.constant 0 : i32
      %dma_wait3A_178 = tpu.memref_slice %arg16[%mul3A_55, %dma_wait3A_177] : memref<20480x64xf32, #tpu.memory_space<hbm>> -> memref<128x64xf32, #tpu.memory_space<hbm>>
      tpu.wait_dma2 semaphore(%arg23 : memref<!tpu.dma_semaphore, #tpu.memory_space<semaphore_mem>>) src(%dma_wait3A_178 : memref<128x64xf32, #tpu.memory_space<hbm>>) dst(%arg21 : memref<128x64xf32, #tpu.memory_space<vmem>>)
      %mul3A_179 = arith.constant 128 : i32
      %mul3A_180 = arith.muli %mul3A_174, %mul3A_179 : i32
      %add3A_181 = arith.addi %mul3A_55, %mul3A_180 : i32
      "tpu.region"() ({
        %run_scoped3A = tpu.sem_alloc : memref<!tpu.dma_semaphore, #tpu.memory_space<semaphore_mem>>
        %dma_start3A_205 = arith.constant 0 : i32
        %dma_start3A_206 = tpu.memref_slice %arg16[%add3A_181, %dma_start3A_205] : memref<20480x64xf32, #tpu.memory_space<hbm>> -> memref<128x64xf32, #tpu.memory_space<hbm>>
        %dma_start3A_207 = arith.constant 0 : i32
        %dma_start3A_208 = tpu.memref_slice %arg16[%add3A_181, %dma_start3A_207] : memref<20480x64xf32, #tpu.memory_space<hbm>> -> memref<128x64xf32, #tpu.memory_space<hbm>>
        tpu.enqueue_dma source(%arg21 : memref<128x64xf32, #tpu.memory_space<vmem>>) target(%dma_start3A_208 : memref<128x64xf32, #tpu.memory_space<hbm>>) target_semaphore(%run_scoped3A : memref<!tpu.dma_semaphore, #tpu.memory_space<semaphore_mem>>)
        %dma_wait3A_209 = arith.constant 0 : i32
        %dma_wait3A_210 = tpu.memref_slice %arg16[%add3A_181, %dma_wait3A_209] : memref<20480x64xf32, #tpu.memory_space<hbm>> -> memref<128x64xf32, #tpu.memory_space<hbm>>
        %dma_wait3A_211 = arith.constant 0 : i32
        %dma_wait3A_212 = tpu.memref_slice %arg16[%add3A_181, %dma_wait3A_211] : memref<20480x64xf32, #tpu.memory_space<hbm>> -> memref<128x64xf32, #tpu.memory_space<hbm>>
        tpu.wait_dma2 semaphore(%run_scoped3A : memref<!tpu.dma_semaphore, #tpu.memory_space<semaphore_mem>>) src(%arg21 : memref<128x64xf32, #tpu.memory_space<vmem>>) dst(%dma_wait3A_212 : memref<128x64xf32, #tpu.memory_space<hbm>>)
        tpu.yield
      }) : () -> ()
      %add3A_182 = arith.constant 2 : i32
      %add3A_183 = arith.addi %mul3A_174, %add3A_182 : i32
      %lt3A_184 = arith.constant 5 : i32
      %lt3A_185 = arith.cmpi slt, %add3A_183, %lt3A_184 : i32
      %convert_element_type3A_186 = arith.extui %lt3A_185 : i1 to i32
      %cond3A_187 = arith.constant 0 : i32
      %cond3A_188 = arith.cmpi ne, %convert_element_type3A_186, %cond3A_187 : i32
      scf.if %cond3A_188 {
        %add3A_205 = arith.constant 2 : i32
        %add3A_206 = arith.addi %mul3A_174, %add3A_205 : i32
        %dma_start3A_207 = arith.constant 0 : i32
        %dma_start3A_208 = tpu.memref_slice %arg20[%add3A_206, %dma_start3A_207] : memref<50x128xi32, #tpu.memory_space<vmem>> -> memref<1x128xi32, #tpu.memory_space<vmem>>
        %dma_start3A_209 = tpu.memref_squeeze %dma_start3A_208 : memref<1x128xi32, #tpu.memory_space<vmem>> -> memref<128xi32, #tpu.memory_space<vmem>>
        %dma_start3A_210 = arith.constant 0 : i32
        %dma_start3A_211 = arith.constant 0 : i32
        %dma_start3A_212 = tpu.memref_slice %arg10[%dma_start3A_210, %dma_start3A_211] : memref<100000x64xf32, #tpu.memory_space<hbm>> -> memref<100000x64xf32, #tpu.memory_space<hbm>>
        tpu.enqueue_indirect_dma source(%dma_start3A_212 : memref<100000x64xf32, #tpu.memory_space<hbm>>) target(%arg21 : memref<128x64xf32, #tpu.memory_space<vmem>>) offsets(%dma_start3A_209 : memref<128xi32, #tpu.memory_space<vmem>>) semaphore(%arg23 : memref<!tpu.dma_semaphore, #tpu.memory_space<semaphore_mem>>)
      } else {
      }
      %add3A_189 = arith.constant 1 : i32
      %add3A_190 = arith.addi %mul3A_174, %add3A_189 : i32
      %dma_wait3A_191 = arith.constant 0 : i32
      %dma_wait3A_192 = tpu.memref_slice %arg16[%mul3A_55, %dma_wait3A_191] : memref<20480x64xf32, #tpu.memory_space<hbm>> -> memref<128x64xf32, #tpu.memory_space<hbm>>
      %dma_wait3A_193 = arith.constant 0 : i32
      %dma_wait3A_194 = tpu.memref_slice %arg16[%mul3A_55, %dma_wait3A_193] : memref<20480x64xf32, #tpu.memory_space<hbm>> -> memref<128x64xf32, #tpu.memory_space<hbm>>
      tpu.wait_dma2 semaphore(%arg24 : memref<!tpu.dma_semaphore, #tpu.memory_space<semaphore_mem>>) src(%dma_wait3A_194 : memref<128x64xf32, #tpu.memory_space<hbm>>) dst(%arg22 : memref<128x64xf32, #tpu.memory_space<vmem>>)
      %mul3A_195 = arith.constant 128 : i32
      %mul3A_196 = arith.muli %add3A_190, %mul3A_195 : i32
      %add3A_197 = arith.addi %mul3A_55, %mul3A_196 : i32
      "tpu.region"() ({
        %run_scoped3A = tpu.sem_alloc : memref<!tpu.dma_semaphore, #tpu.memory_space<semaphore_mem>>
        %dma_start3A_205 = arith.constant 0 : i32
        %dma_start3A_206 = tpu.memref_slice %arg16[%add3A_197, %dma_start3A_205] : memref<20480x64xf32, #tpu.memory_space<hbm>> -> memref<128x64xf32, #tpu.memory_space<hbm>>
        %dma_start3A_207 = arith.constant 0 : i32
        %dma_start3A_208 = tpu.memref_slice %arg16[%add3A_197, %dma_start3A_207] : memref<20480x64xf32, #tpu.memory_space<hbm>> -> memref<128x64xf32, #tpu.memory_space<hbm>>
        tpu.enqueue_dma source(%arg22 : memref<128x64xf32, #tpu.memory_space<vmem>>) target(%dma_start3A_208 : memref<128x64xf32, #tpu.memory_space<hbm>>) target_semaphore(%run_scoped3A : memref<!tpu.dma_semaphore, #tpu.memory_space<semaphore_mem>>)
        %dma_wait3A_209 = arith.constant 0 : i32
        %dma_wait3A_210 = tpu.memref_slice %arg16[%add3A_197, %dma_wait3A_209] : memref<20480x64xf32, #tpu.memory_space<hbm>> -> memref<128x64xf32, #tpu.memory_space<hbm>>
        %dma_wait3A_211 = arith.constant 0 : i32
        %dma_wait3A_212 = tpu.memref_slice %arg16[%add3A_197, %dma_wait3A_211] : memref<20480x64xf32, #tpu.memory_space<hbm>> -> memref<128x64xf32, #tpu.memory_space<hbm>>
        tpu.wait_dma2 semaphore(%run_scoped3A : memref<!tpu.dma_semaphore, #tpu.memory_space<semaphore_mem>>) src(%arg22 : memref<128x64xf32, #tpu.memory_space<vmem>>) dst(%dma_wait3A_212 : memref<128x64xf32, #tpu.memory_space<hbm>>)
        tpu.yield
      }) : () -> ()
      %add3A_198 = arith.constant 2 : i32
      %add3A_199 = arith.addi %add3A_190, %add3A_198 : i32
      %lt3A_200 = arith.constant 5 : i32
      %lt3A_201 = arith.cmpi slt, %add3A_199, %lt3A_200 : i32
      %convert_element_type3A_202 = arith.extui %lt3A_201 : i1 to i32
      %cond3A_203 = arith.constant 0 : i32
      %cond3A_204 = arith.cmpi ne, %convert_element_type3A_202, %cond3A_203 : i32
      scf.if %cond3A_204 {
        %add3A_205 = arith.constant 2 : i32
        %add3A_206 = arith.addi %add3A_190, %add3A_205 : i32
        %dma_start3A_207 = arith.constant 0 : i32
        %dma_start3A_208 = tpu.memref_slice %arg20[%add3A_206, %dma_start3A_207] : memref<50x128xi32, #tpu.memory_space<vmem>> -> memref<1x128xi32, #tpu.memory_space<vmem>>
        %dma_start3A_209 = tpu.memref_squeeze %dma_start3A_208 : memref<1x128xi32, #tpu.memory_space<vmem>> -> memref<128xi32, #tpu.memory_space<vmem>>
        %dma_start3A_210 = arith.constant 0 : i32
        %dma_start3A_211 = arith.constant 0 : i32
        %dma_start3A_212 = tpu.memref_slice %arg10[%dma_start3A_210, %dma_start3A_211] : memref<100000x64xf32, #tpu.memory_space<hbm>> -> memref<100000x64xf32, #tpu.memory_space<hbm>>
        tpu.enqueue_indirect_dma source(%dma_start3A_212 : memref<100000x64xf32, #tpu.memory_space<hbm>>) target(%arg22 : memref<128x64xf32, #tpu.memory_space<vmem>>) offsets(%dma_start3A_209 : memref<128xi32, #tpu.memory_space<vmem>>) semaphore(%arg24 : memref<!tpu.dma_semaphore, #tpu.memory_space<semaphore_mem>>)
      } else {
      }
    }
    %scan3A_75 = arith.constant 2 : i32
    %dma_wait3A_76 = arith.constant 0 : i32
    %dma_wait3A_77 = tpu.memref_slice %arg16[%mul3A_55, %dma_wait3A_76] : memref<20480x64xf32, #tpu.memory_space<hbm>> -> memref<128x64xf32, #tpu.memory_space<hbm>>
    %dma_wait3A_78 = arith.constant 0 : i32
    %dma_wait3A_79 = tpu.memref_slice %arg16[%mul3A_55, %dma_wait3A_78] : memref<20480x64xf32, #tpu.memory_space<hbm>> -> memref<128x64xf32, #tpu.memory_space<hbm>>
    tpu.wait_dma2 semaphore(%arg23 : memref<!tpu.dma_semaphore, #tpu.memory_space<semaphore_mem>>) src(%dma_wait3A_79 : memref<128x64xf32, #tpu.memory_space<hbm>>) dst(%arg21 : memref<128x64xf32, #tpu.memory_space<vmem>>)
    %add3A_80 = arith.constant 512 : i32
    %add3A_81 = arith.addi %mul3A_55, %add3A_80 : i32
    "tpu.region"() ({
      %run_scoped3A = tpu.sem_alloc : memref<!tpu.dma_semaphore, #tpu.memory_space<semaphore_mem>>
      %dma_start3A_172 = arith.constant 0 : i32
      %dma_start3A_173 = tpu.memref_slice %arg16[%add3A_81, %dma_start3A_172] : memref<20480x64xf32, #tpu.memory_space<hbm>> -> memref<128x64xf32, #tpu.memory_space<hbm>>
      %dma_start3A_174 = arith.constant 0 : i32
      %dma_start3A_175 = tpu.memref_slice %arg16[%add3A_81, %dma_start3A_174] : memref<20480x64xf32, #tpu.memory_space<hbm>> -> memref<128x64xf32, #tpu.memory_space<hbm>>
      tpu.enqueue_dma source(%arg21 : memref<128x64xf32, #tpu.memory_space<vmem>>) target(%dma_start3A_175 : memref<128x64xf32, #tpu.memory_space<hbm>>) target_semaphore(%run_scoped3A : memref<!tpu.dma_semaphore, #tpu.memory_space<semaphore_mem>>)
      %dma_wait3A_176 = arith.constant 0 : i32
      %dma_wait3A_177 = tpu.memref_slice %arg16[%add3A_81, %dma_wait3A_176] : memref<20480x64xf32, #tpu.memory_space<hbm>> -> memref<128x64xf32, #tpu.memory_space<hbm>>
      %dma_wait3A_178 = arith.constant 0 : i32
      %dma_wait3A_179 = tpu.memref_slice %arg16[%add3A_81, %dma_wait3A_178] : memref<20480x64xf32, #tpu.memory_space<hbm>> -> memref<128x64xf32, #tpu.memory_space<hbm>>
      tpu.wait_dma2 semaphore(%run_scoped3A : memref<!tpu.dma_semaphore, #tpu.memory_space<semaphore_mem>>) src(%arg21 : memref<128x64xf32, #tpu.memory_space<vmem>>) dst(%dma_wait3A_179 : memref<128x64xf32, #tpu.memory_space<hbm>>)
      tpu.yield
    }) : () -> ()
    %mul3A_82 = arith.constant 3 : i32
    %mul3A_83 = arith.muli %add3A, %mul3A_82 : i32
    %mul3A_84 = arith.constant 128 : i32
    %mul3A_85 = arith.muli %mul3A_83, %mul3A_84 : i32
    "tpu.region"() ({
      %run_scoped3A = tpu.sem_alloc : memref<!tpu.dma_semaphore, #tpu.memory_space<semaphore_mem>>
      %dma_start3A_172 = arith.constant 0 : i32
      %dma_start3A_173 = arith.constant 0 : i32
      %dma_start3A_174 = tpu.memref_slice %arg20[%dma_start3A_172, %dma_start3A_173] : memref<50x128xi32, #tpu.memory_space<vmem>> -> memref<3x128xi32, #tpu.memory_space<vmem>>
      %dma_start3A_175 = arith.constant 0 : i32
      %dma_start3A_176 = tpu.memref_slice %arg5[%mul3A_83, %dma_start3A_175] : memref<96x128xi32, #tpu.memory_space<hbm>> -> memref<3x128xi32, #tpu.memory_space<hbm>>
      %dma_start3A_177 = arith.constant 0 : i32
      %dma_start3A_178 = arith.constant 0 : i32
      %dma_start3A_179 = tpu.memref_slice %arg20[%dma_start3A_177, %dma_start3A_178] : memref<50x128xi32, #tpu.memory_space<vmem>> -> memref<3x128xi32, #tpu.memory_space<vmem>>
      %dma_start3A_180 = arith.constant 0 : i32
      %dma_start3A_181 = tpu.memref_slice %arg5[%mul3A_83, %dma_start3A_180] : memref<96x128xi32, #tpu.memory_space<hbm>> -> memref<3x128xi32, #tpu.memory_space<hbm>>
      tpu.enqueue_dma source(%dma_start3A_181 : memref<3x128xi32, #tpu.memory_space<hbm>>) target(%dma_start3A_179 : memref<3x128xi32, #tpu.memory_space<vmem>>) target_semaphore(%run_scoped3A : memref<!tpu.dma_semaphore, #tpu.memory_space<semaphore_mem>>)
      %dma_wait3A_182 = arith.constant 0 : i32
      %dma_wait3A_183 = arith.constant 0 : i32
      %dma_wait3A_184 = tpu.memref_slice %arg20[%dma_wait3A_182, %dma_wait3A_183] : memref<50x128xi32, #tpu.memory_space<vmem>> -> memref<3x128xi32, #tpu.memory_space<vmem>>
      %dma_wait3A_185 = arith.constant 0 : i32
      %dma_wait3A_186 = tpu.memref_slice %arg5[%mul3A_83, %dma_wait3A_185] : memref<96x128xi32, #tpu.memory_space<hbm>> -> memref<3x128xi32, #tpu.memory_space<hbm>>
      %dma_wait3A_187 = arith.constant 0 : i32
      %dma_wait3A_188 = arith.constant 0 : i32
      %dma_wait3A_189 = tpu.memref_slice %arg20[%dma_wait3A_187, %dma_wait3A_188] : memref<50x128xi32, #tpu.memory_space<vmem>> -> memref<3x128xi32, #tpu.memory_space<vmem>>
      %dma_wait3A_190 = arith.constant 0 : i32
      %dma_wait3A_191 = tpu.memref_slice %arg5[%mul3A_83, %dma_wait3A_190] : memref<96x128xi32, #tpu.memory_space<hbm>> -> memref<3x128xi32, #tpu.memory_space<hbm>>
      tpu.wait_dma2 semaphore(%run_scoped3A : memref<!tpu.dma_semaphore, #tpu.memory_space<semaphore_mem>>) src(%dma_wait3A_191 : memref<3x128xi32, #tpu.memory_space<hbm>>) dst(%dma_wait3A_189 : memref<3x128xi32, #tpu.memory_space<vmem>>)
      tpu.yield
    }) : () -> ()
    %dma_start3A_86 = arith.constant 0 : i32
    %dma_start3A_87 = arith.constant 0 : i32
    %dma_start3A_88 = tpu.memref_slice %arg20[%dma_start3A_86, %dma_start3A_87] : memref<50x128xi32, #tpu.memory_space<vmem>> -> memref<1x128xi32, #tpu.memory_space<vmem>>
    %dma_start3A_89 = tpu.memref_squeeze %dma_start3A_88 : memref<1x128xi32, #tpu.memory_space<vmem>> -> memref<128xi32, #tpu.memory_space<vmem>>
    %dma_start3A_90 = arith.constant 0 : i32
    %dma_start3A_91 = arith.constant 0 : i32
    %dma_start3A_92 = tpu.memref_slice %arg11[%dma_start3A_90, %dma_start3A_91] : memref<100000x64xf32, #tpu.memory_space<hbm>> -> memref<100000x64xf32, #tpu.memory_space<hbm>>
    tpu.enqueue_indirect_dma source(%dma_start3A_92 : memref<100000x64xf32, #tpu.memory_space<hbm>>) target(%arg21 : memref<128x64xf32, #tpu.memory_space<vmem>>) offsets(%dma_start3A_89 : memref<128xi32, #tpu.memory_space<vmem>>) semaphore(%arg23 : memref<!tpu.dma_semaphore, #tpu.memory_space<semaphore_mem>>)
    %dma_start3A_93 = arith.constant 1 : i32
    %dma_start3A_94 = arith.constant 0 : i32
    %dma_start3A_95 = tpu.memref_slice %arg20[%dma_start3A_93, %dma_start3A_94] : memref<50x128xi32, #tpu.memory_space<vmem>> -> memref<1x128xi32, #tpu.memory_space<vmem>>
    %dma_start3A_96 = tpu.memref_squeeze %dma_start3A_95 : memref<1x128xi32, #tpu.memory_space<vmem>> -> memref<128xi32, #tpu.memory_space<vmem>>
    %dma_start3A_97 = arith.constant 0 : i32
    %dma_start3A_98 = arith.constant 0 : i32
    %dma_start3A_99 = tpu.memref_slice %arg11[%dma_start3A_97, %dma_start3A_98] : memref<100000x64xf32, #tpu.memory_space<hbm>> -> memref<100000x64xf32, #tpu.memory_space<hbm>>
    tpu.enqueue_indirect_dma source(%dma_start3A_99 : memref<100000x64xf32, #tpu.memory_space<hbm>>) target(%arg22 : memref<128x64xf32, #tpu.memory_space<vmem>>) offsets(%dma_start3A_96 : memref<128xi32, #tpu.memory_space<vmem>>) semaphore(%arg24 : memref<!tpu.dma_semaphore, #tpu.memory_space<semaphore_mem>>)
    %scan3A_100 = arith.constant 0 : i32
    %scan3A_101 = arith.constant 0 : i32
    %mul3A_102 = arith.constant 2 : i32
    %mul3A_103 = arith.muli %mul3A_102, %scan3A_101 : i32
    %dma_wait3A_104 = arith.constant 0 : i32
    %dma_wait3A_105 = tpu.memref_slice %arg17[%mul3A_85, %dma_wait3A_104] : memref<12288x64xf32, #tpu.memory_space<hbm>> -> memref<128x64xf32, #tpu.memory_space<hbm>>
    %dma_wait3A_106 = arith.constant 0 : i32
    %dma_wait3A_107 = tpu.memref_slice %arg17[%mul3A_85, %dma_wait3A_106] : memref<12288x64xf32, #tpu.memory_space<hbm>> -> memref<128x64xf32, #tpu.memory_space<hbm>>
    tpu.wait_dma2 semaphore(%arg23 : memref<!tpu.dma_semaphore, #tpu.memory_space<semaphore_mem>>) src(%dma_wait3A_107 : memref<128x64xf32, #tpu.memory_space<hbm>>) dst(%arg21 : memref<128x64xf32, #tpu.memory_space<vmem>>)
    %mul3A_108 = arith.constant 128 : i32
    %mul3A_109 = arith.muli %mul3A_103, %mul3A_108 : i32
    %add3A_110 = arith.addi %mul3A_85, %mul3A_109 : i32
    "tpu.region"() ({
      %run_scoped3A = tpu.sem_alloc : memref<!tpu.dma_semaphore, #tpu.memory_space<semaphore_mem>>
      %dma_start3A_172 = arith.constant 0 : i32
      %dma_start3A_173 = tpu.memref_slice %arg17[%add3A_110, %dma_start3A_172] : memref<12288x64xf32, #tpu.memory_space<hbm>> -> memref<128x64xf32, #tpu.memory_space<hbm>>
      %dma_start3A_174 = arith.constant 0 : i32
      %dma_start3A_175 = tpu.memref_slice %arg17[%add3A_110, %dma_start3A_174] : memref<12288x64xf32, #tpu.memory_space<hbm>> -> memref<128x64xf32, #tpu.memory_space<hbm>>
      tpu.enqueue_dma source(%arg21 : memref<128x64xf32, #tpu.memory_space<vmem>>) target(%dma_start3A_175 : memref<128x64xf32, #tpu.memory_space<hbm>>) target_semaphore(%run_scoped3A : memref<!tpu.dma_semaphore, #tpu.memory_space<semaphore_mem>>)
      %dma_wait3A_176 = arith.constant 0 : i32
      %dma_wait3A_177 = tpu.memref_slice %arg17[%add3A_110, %dma_wait3A_176] : memref<12288x64xf32, #tpu.memory_space<hbm>> -> memref<128x64xf32, #tpu.memory_space<hbm>>
      %dma_wait3A_178 = arith.constant 0 : i32
      %dma_wait3A_179 = tpu.memref_slice %arg17[%add3A_110, %dma_wait3A_178] : memref<12288x64xf32, #tpu.memory_space<hbm>> -> memref<128x64xf32, #tpu.memory_space<hbm>>
      tpu.wait_dma2 semaphore(%run_scoped3A : memref<!tpu.dma_semaphore, #tpu.memory_space<semaphore_mem>>) src(%arg21 : memref<128x64xf32, #tpu.memory_space<vmem>>) dst(%dma_wait3A_179 : memref<128x64xf32, #tpu.memory_space<hbm>>)
      tpu.yield
    }) : () -> ()
    %add3A_111 = arith.constant 2 : i32
    %add3A_112 = arith.addi %mul3A_103, %add3A_111 : i32
    %lt3A = arith.constant 3 : i32
    %lt3A_113 = arith.cmpi slt, %add3A_112, %lt3A : i32
    %convert_element_type3A = arith.extui %lt3A_113 : i1 to i32
    %cond3A = arith.constant 0 : i32
    %cond3A_114 = arith.cmpi ne, %convert_element_type3A, %cond3A : i32
    scf.if %cond3A_114 {
      %add3A_172 = arith.constant 2 : i32
      %add3A_173 = arith.addi %mul3A_103, %add3A_172 : i32
      %dma_start3A_174 = arith.constant 0 : i32
      %dma_start3A_175 = tpu.memref_slice %arg20[%add3A_173, %dma_start3A_174] : memref<50x128xi32, #tpu.memory_space<vmem>> -> memref<1x128xi32, #tpu.memory_space<vmem>>
      %dma_start3A_176 = tpu.memref_squeeze %dma_start3A_175 : memref<1x128xi32, #tpu.memory_space<vmem>> -> memref<128xi32, #tpu.memory_space<vmem>>
      %dma_start3A_177 = arith.constant 0 : i32
      %dma_start3A_178 = arith.constant 0 : i32
      %dma_start3A_179 = tpu.memref_slice %arg11[%dma_start3A_177, %dma_start3A_178] : memref<100000x64xf32, #tpu.memory_space<hbm>> -> memref<100000x64xf32, #tpu.memory_space<hbm>>
      tpu.enqueue_indirect_dma source(%dma_start3A_179 : memref<100000x64xf32, #tpu.memory_space<hbm>>) target(%arg21 : memref<128x64xf32, #tpu.memory_space<vmem>>) offsets(%dma_start3A_176 : memref<128xi32, #tpu.memory_space<vmem>>) semaphore(%arg23 : memref<!tpu.dma_semaphore, #tpu.memory_space<semaphore_mem>>)
    } else {
    }
    %add3A_115 = arith.constant 1 : i32
    %add3A_116 = arith.addi %mul3A_103, %add3A_115 : i32
    %dma_wait3A_117 = arith.constant 0 : i32
    %dma_wait3A_118 = tpu.memref_slice %arg17[%mul3A_85, %dma_wait3A_117] : memref<12288x64xf32, #tpu.memory_space<hbm>> -> memref<128x64xf32, #tpu.memory_space<hbm>>
    %dma_wait3A_119 = arith.constant 0 : i32
    %dma_wait3A_120 = tpu.memref_slice %arg17[%mul3A_85, %dma_wait3A_119] : memref<12288x64xf32, #tpu.memory_space<hbm>> -> memref<128x64xf32, #tpu.memory_space<hbm>>
    tpu.wait_dma2 semaphore(%arg24 : memref<!tpu.dma_semaphore, #tpu.memory_space<semaphore_mem>>) src(%dma_wait3A_120 : memref<128x64xf32, #tpu.memory_space<hbm>>) dst(%arg22 : memref<128x64xf32, #tpu.memory_space<vmem>>)
    %mul3A_121 = arith.constant 128 : i32
    %mul3A_122 = arith.muli %add3A_116, %mul3A_121 : i32
    %add3A_123 = arith.addi %mul3A_85, %mul3A_122 : i32
    "tpu.region"() ({
      %run_scoped3A = tpu.sem_alloc : memref<!tpu.dma_semaphore, #tpu.memory_space<semaphore_mem>>
      %dma_start3A_172 = arith.constant 0 : i32
      %dma_start3A_173 = tpu.memref_slice %arg17[%add3A_123, %dma_start3A_172] : memref<12288x64xf32, #tpu.memory_space<hbm>> -> memref<128x64xf32, #tpu.memory_space<hbm>>
      %dma_start3A_174 = arith.constant 0 : i32
      %dma_start3A_175 = tpu.memref_slice %arg17[%add3A_123, %dma_start3A_174] : memref<12288x64xf32, #tpu.memory_space<hbm>> -> memref<128x64xf32, #tpu.memory_space<hbm>>
      tpu.enqueue_dma source(%arg22 : memref<128x64xf32, #tpu.memory_space<vmem>>) target(%dma_start3A_175 : memref<128x64xf32, #tpu.memory_space<hbm>>) target_semaphore(%run_scoped3A : memref<!tpu.dma_semaphore, #tpu.memory_space<semaphore_mem>>)
      %dma_wait3A_176 = arith.constant 0 : i32
      %dma_wait3A_177 = tpu.memref_slice %arg17[%add3A_123, %dma_wait3A_176] : memref<12288x64xf32, #tpu.memory_space<hbm>> -> memref<128x64xf32, #tpu.memory_space<hbm>>
      %dma_wait3A_178 = arith.constant 0 : i32
      %dma_wait3A_179 = tpu.memref_slice %arg17[%add3A_123, %dma_wait3A_178] : memref<12288x64xf32, #tpu.memory_space<hbm>> -> memref<128x64xf32, #tpu.memory_space<hbm>>
      tpu.wait_dma2 semaphore(%run_scoped3A : memref<!tpu.dma_semaphore, #tpu.memory_space<semaphore_mem>>) src(%arg22 : memref<128x64xf32, #tpu.memory_space<vmem>>) dst(%dma_wait3A_179 : memref<128x64xf32, #tpu.memory_space<hbm>>)
      tpu.yield
    }) : () -> ()
    %add3A_124 = arith.constant 2 : i32
    %add3A_125 = arith.addi %add3A_116, %add3A_124 : i32
    %lt3A_126 = arith.constant 3 : i32
    %lt3A_127 = arith.cmpi slt, %add3A_125, %lt3A_126 : i32
    %convert_element_type3A_128 = arith.extui %lt3A_127 : i1 to i32
    %cond3A_129 = arith.constant 0 : i32
    %cond3A_130 = arith.cmpi ne, %convert_element_type3A_128, %cond3A_129 : i32
    scf.if %cond3A_130 {
      %add3A_172 = arith.constant 2 : i32
      %add3A_173 = arith.addi %add3A_116, %add3A_172 : i32
      %dma_start3A_174 = arith.constant 0 : i32
      %dma_start3A_175 = tpu.memref_slice %arg20[%add3A_173, %dma_start3A_174] : memref<50x128xi32, #tpu.memory_space<vmem>> -> memref<1x128xi32, #tpu.memory_space<vmem>>
      %dma_start3A_176 = tpu.memref_squeeze %dma_start3A_175 : memref<1x128xi32, #tpu.memory_space<vmem>> -> memref<128xi32, #tpu.memory_space<vmem>>
      %dma_start3A_177 = arith.constant 0 : i32
      %dma_start3A_178 = arith.constant 0 : i32
      %dma_start3A_179 = tpu.memref_slice %arg11[%dma_start3A_177, %dma_start3A_178] : memref<100000x64xf32, #tpu.memory_space<hbm>> -> memref<100000x64xf32, #tpu.memory_space<hbm>>
      tpu.enqueue_indirect_dma source(%dma_start3A_179 : memref<100000x64xf32, #tpu.memory_space<hbm>>) target(%arg22 : memref<128x64xf32, #tpu.memory_space<vmem>>) offsets(%dma_start3A_176 : memref<128xi32, #tpu.memory_space<vmem>>) semaphore(%arg24 : memref<!tpu.dma_semaphore, #tpu.memory_space<semaphore_mem>>)
    } else {
    }
    %scan3A_131 = arith.constant 1 : i32
    %dma_wait3A_132 = arith.constant 0 : i32
    %dma_wait3A_133 = tpu.memref_slice %arg17[%mul3A_85, %dma_wait3A_132] : memref<12288x64xf32, #tpu.memory_space<hbm>> -> memref<128x64xf32, #tpu.memory_space<hbm>>
    %dma_wait3A_134 = arith.constant 0 : i32
    %dma_wait3A_135 = tpu.memref_slice %arg17[%mul3A_85, %dma_wait3A_134] : memref<12288x64xf32, #tpu.memory_space<hbm>> -> memref<128x64xf32, #tpu.memory_space<hbm>>
    tpu.wait_dma2 semaphore(%arg23 : memref<!tpu.dma_semaphore, #tpu.memory_space<semaphore_mem>>) src(%dma_wait3A_135 : memref<128x64xf32, #tpu.memory_space<hbm>>) dst(%arg21 : memref<128x64xf32, #tpu.memory_space<vmem>>)
    %add3A_136 = arith.constant 256 : i32
    %add3A_137 = arith.addi %mul3A_85, %add3A_136 : i32
    "tpu.region"() ({
      %run_scoped3A = tpu.sem_alloc : memref<!tpu.dma_semaphore, #tpu.memory_space<semaphore_mem>>
      %dma_start3A_172 = arith.constant 0 : i32
      %dma_start3A_173 = tpu.memref_slice %arg17[%add3A_137, %dma_start3A_172] : memref<12288x64xf32, #tpu.memory_space<hbm>> -> memref<128x64xf32, #tpu.memory_space<hbm>>
      %dma_start3A_174 = arith.constant 0 : i32
      %dma_start3A_175 = tpu.memref_slice %arg17[%add3A_137, %dma_start3A_174] : memref<12288x64xf32, #tpu.memory_space<hbm>> -> memref<128x64xf32, #tpu.memory_space<hbm>>
      tpu.enqueue_dma source(%arg21 : memref<128x64xf32, #tpu.memory_space<vmem>>) target(%dma_start3A_175 : memref<128x64xf32, #tpu.memory_space<hbm>>) target_semaphore(%run_scoped3A : memref<!tpu.dma_semaphore, #tpu.memory_space<semaphore_mem>>)
      %dma_wait3A_176 = arith.constant 0 : i32
      %dma_wait3A_177 = tpu.memref_slice %arg17[%add3A_137, %dma_wait3A_176] : memref<12288x64xf32, #tpu.memory_space<hbm>> -> memref<128x64xf32, #tpu.memory_space<hbm>>
      %dma_wait3A_178 = arith.constant 0 : i32
      %dma_wait3A_179 = tpu.memref_slice %arg17[%add3A_137, %dma_wait3A_178] : memref<12288x64xf32, #tpu.memory_space<hbm>> -> memref<128x64xf32, #tpu.memory_space<hbm>>
      tpu.wait_dma2 semaphore(%run_scoped3A : memref<!tpu.dma_semaphore, #tpu.memory_space<semaphore_mem>>) src(%arg21 : memref<128x64xf32, #tpu.memory_space<vmem>>) dst(%dma_wait3A_179 : memref<128x64xf32, #tpu.memory_space<hbm>>)
      tpu.yield
    }) : () -> ()
    %mul3A_138 = arith.constant 1 : i32
    %mul3A_139 = arith.muli %add3A, %mul3A_138 : i32
    %mul3A_140 = arith.constant 128 : i32
    %mul3A_141 = arith.muli %mul3A_139, %mul3A_140 : i32
    "tpu.region"() ({
      %run_scoped3A = tpu.sem_alloc : memref<!tpu.dma_semaphore, #tpu.memory_space<semaphore_mem>>
      %dma_start3A_172 = arith.constant 0 : i32
      %dma_start3A_173 = arith.constant 0 : i32
      %dma_start3A_174 = tpu.memref_slice %arg20[%dma_start3A_172, %dma_start3A_173] : memref<50x128xi32, #tpu.memory_space<vmem>> -> memref<1x128xi32, #tpu.memory_space<vmem>>
      %dma_start3A_175 = arith.constant 0 : i32
      %dma_start3A_176 = tpu.memref_slice %arg6[%mul3A_139, %dma_start3A_175] : memref<32x128xi32, #tpu.memory_space<hbm>> -> memref<1x128xi32, #tpu.memory_space<hbm>>
      %dma_start3A_177 = arith.constant 0 : i32
      %dma_start3A_178 = arith.constant 0 : i32
      %dma_start3A_179 = tpu.memref_slice %arg20[%dma_start3A_177, %dma_start3A_178] : memref<50x128xi32, #tpu.memory_space<vmem>> -> memref<1x128xi32, #tpu.memory_space<vmem>>
      %dma_start3A_180 = arith.constant 0 : i32
      %dma_start3A_181 = tpu.memref_slice %arg6[%mul3A_139, %dma_start3A_180] : memref<32x128xi32, #tpu.memory_space<hbm>> -> memref<1x128xi32, #tpu.memory_space<hbm>>
      tpu.enqueue_dma source(%dma_start3A_181 : memref<1x128xi32, #tpu.memory_space<hbm>>) target(%dma_start3A_179 : memref<1x128xi32, #tpu.memory_space<vmem>>) target_semaphore(%run_scoped3A : memref<!tpu.dma_semaphore, #tpu.memory_space<semaphore_mem>>)
      %dma_wait3A_182 = arith.constant 0 : i32
      %dma_wait3A_183 = arith.constant 0 : i32
      %dma_wait3A_184 = tpu.memref_slice %arg20[%dma_wait3A_182, %dma_wait3A_183] : memref<50x128xi32, #tpu.memory_space<vmem>> -> memref<1x128xi32, #tpu.memory_space<vmem>>
      %dma_wait3A_185 = arith.constant 0 : i32
      %dma_wait3A_186 = tpu.memref_slice %arg6[%mul3A_139, %dma_wait3A_185] : memref<32x128xi32, #tpu.memory_space<hbm>> -> memref<1x128xi32, #tpu.memory_space<hbm>>
      %dma_wait3A_187 = arith.constant 0 : i32
      %dma_wait3A_188 = arith.constant 0 : i32
      %dma_wait3A_189 = tpu.memref_slice %arg20[%dma_wait3A_187, %dma_wait3A_188] : memref<50x128xi32, #tpu.memory_space<vmem>> -> memref<1x128xi32, #tpu.memory_space<vmem>>
      %dma_wait3A_190 = arith.constant 0 : i32
      %dma_wait3A_191 = tpu.memref_slice %arg6[%mul3A_139, %dma_wait3A_190] : memref<32x128xi32, #tpu.memory_space<hbm>> -> memref<1x128xi32, #tpu.memory_space<hbm>>
      tpu.wait_dma2 semaphore(%run_scoped3A : memref<!tpu.dma_semaphore, #tpu.memory_space<semaphore_mem>>) src(%dma_wait3A_191 : memref<1x128xi32, #tpu.memory_space<hbm>>) dst(%dma_wait3A_189 : memref<1x128xi32, #tpu.memory_space<vmem>>)
      tpu.yield
    }) : () -> ()
    %dma_start3A_142 = arith.constant 0 : i32
    %dma_start3A_143 = arith.constant 0 : i32
    %dma_start3A_144 = tpu.memref_slice %arg20[%dma_start3A_142, %dma_start3A_143] : memref<50x128xi32, #tpu.memory_space<vmem>> -> memref<1x128xi32, #tpu.memory_space<vmem>>
    %dma_start3A_145 = tpu.memref_squeeze %dma_start3A_144 : memref<1x128xi32, #tpu.memory_space<vmem>> -> memref<128xi32, #tpu.memory_space<vmem>>
    %dma_start3A_146 = arith.constant 0 : i32
    %dma_start3A_147 = arith.constant 0 : i32
    %dma_start3A_148 = tpu.memref_slice %arg12[%dma_start3A_146, %dma_start3A_147] : memref<100000x64xf32, #tpu.memory_space<hbm>> -> memref<100000x64xf32, #tpu.memory_space<hbm>>
    tpu.enqueue_indirect_dma source(%dma_start3A_148 : memref<100000x64xf32, #tpu.memory_space<hbm>>) target(%arg21 : memref<128x64xf32, #tpu.memory_space<vmem>>) offsets(%dma_start3A_145 : memref<128xi32, #tpu.memory_space<vmem>>) semaphore(%arg23 : memref<!tpu.dma_semaphore, #tpu.memory_space<semaphore_mem>>)
    %dma_wait3A_149 = arith.constant 0 : i32
    %dma_wait3A_150 = tpu.memref_slice %arg18[%mul3A_141, %dma_wait3A_149] : memref<4096x64xf32, #tpu.memory_space<hbm>> -> memref<128x64xf32, #tpu.memory_space<hbm>>
    %dma_wait3A_151 = arith.constant 0 : i32
    %dma_wait3A_152 = tpu.memref_slice %arg18[%mul3A_141, %dma_wait3A_151] : memref<4096x64xf32, #tpu.memory_space<hbm>> -> memref<128x64xf32, #tpu.memory_space<hbm>>
    tpu.wait_dma2 semaphore(%arg23 : memref<!tpu.dma_semaphore, #tpu.memory_space<semaphore_mem>>) src(%dma_wait3A_152 : memref<128x64xf32, #tpu.memory_space<hbm>>) dst(%arg21 : memref<128x64xf32, #tpu.memory_space<vmem>>)
    %add3A_153 = arith.constant 0 : i32
    %add3A_154 = arith.addi %mul3A_141, %add3A_153 : i32
    "tpu.region"() ({
      %run_scoped3A = tpu.sem_alloc : memref<!tpu.dma_semaphore, #tpu.memory_space<semaphore_mem>>
      %dma_start3A_172 = arith.constant 0 : i32
      %dma_start3A_173 = tpu.memref_slice %arg18[%add3A_154, %dma_start3A_172] : memref<4096x64xf32, #tpu.memory_space<hbm>> -> memref<128x64xf32, #tpu.memory_space<hbm>>
      %dma_start3A_174 = arith.constant 0 : i32
      %dma_start3A_175 = tpu.memref_slice %arg18[%add3A_154, %dma_start3A_174] : memref<4096x64xf32, #tpu.memory_space<hbm>> -> memref<128x64xf32, #tpu.memory_space<hbm>>
      tpu.enqueue_dma source(%arg21 : memref<128x64xf32, #tpu.memory_space<vmem>>) target(%dma_start3A_175 : memref<128x64xf32, #tpu.memory_space<hbm>>) target_semaphore(%run_scoped3A : memref<!tpu.dma_semaphore, #tpu.memory_space<semaphore_mem>>)
      %dma_wait3A_176 = arith.constant 0 : i32
      %dma_wait3A_177 = tpu.memref_slice %arg18[%add3A_154, %dma_wait3A_176] : memref<4096x64xf32, #tpu.memory_space<hbm>> -> memref<128x64xf32, #tpu.memory_space<hbm>>
      %dma_wait3A_178 = arith.constant 0 : i32
      %dma_wait3A_179 = tpu.memref_slice %arg18[%add3A_154, %dma_wait3A_178] : memref<4096x64xf32, #tpu.memory_space<hbm>> -> memref<128x64xf32, #tpu.memory_space<hbm>>
      tpu.wait_dma2 semaphore(%run_scoped3A : memref<!tpu.dma_semaphore, #tpu.memory_space<semaphore_mem>>) src(%arg21 : memref<128x64xf32, #tpu.memory_space<vmem>>) dst(%dma_wait3A_179 : memref<128x64xf32, #tpu.memory_space<hbm>>)
      tpu.yield
    }) : () -> ()
    %mul3A_155 = arith.constant 1 : i32
    %mul3A_156 = arith.muli %add3A, %mul3A_155 : i32
    %mul3A_157 = arith.constant 128 : i32
    %mul3A_158 = arith.muli %mul3A_156, %mul3A_157 : i32
    "tpu.region"() ({
      %run_scoped3A = tpu.sem_alloc : memref<!tpu.dma_semaphore, #tpu.memory_space<semaphore_mem>>
      %dma_start3A_172 = arith.constant 0 : i32
      %dma_start3A_173 = arith.constant 0 : i32
      %dma_start3A_174 = tpu.memref_slice %arg20[%dma_start3A_172, %dma_start3A_173] : memref<50x128xi32, #tpu.memory_space<vmem>> -> memref<1x128xi32, #tpu.memory_space<vmem>>
      %dma_start3A_175 = arith.constant 0 : i32
      %dma_start3A_176 = tpu.memref_slice %arg7[%mul3A_156, %dma_start3A_175] : memref<32x128xi32, #tpu.memory_space<hbm>> -> memref<1x128xi32, #tpu.memory_space<hbm>>
      %dma_start3A_177 = arith.constant 0 : i32
      %dma_start3A_178 = arith.constant 0 : i32
      %dma_start3A_179 = tpu.memref_slice %arg20[%dma_start3A_177, %dma_start3A_178] : memref<50x128xi32, #tpu.memory_space<vmem>> -> memref<1x128xi32, #tpu.memory_space<vmem>>
      %dma_start3A_180 = arith.constant 0 : i32
      %dma_start3A_181 = tpu.memref_slice %arg7[%mul3A_156, %dma_start3A_180] : memref<32x128xi32, #tpu.memory_space<hbm>> -> memref<1x128xi32, #tpu.memory_space<hbm>>
      tpu.enqueue_dma source(%dma_start3A_181 : memref<1x128xi32, #tpu.memory_space<hbm>>) target(%dma_start3A_179 : memref<1x128xi32, #tpu.memory_space<vmem>>) target_semaphore(%run_scoped3A : memref<!tpu.dma_semaphore, #tpu.memory_space<semaphore_mem>>)
      %dma_wait3A_182 = arith.constant 0 : i32
      %dma_wait3A_183 = arith.constant 0 : i32
      %dma_wait3A_184 = tpu.memref_slice %arg20[%dma_wait3A_182, %dma_wait3A_183] : memref<50x128xi32, #tpu.memory_space<vmem>> -> memref<1x128xi32, #tpu.memory_space<vmem>>
      %dma_wait3A_185 = arith.constant 0 : i32
      %dma_wait3A_186 = tpu.memref_slice %arg7[%mul3A_156, %dma_wait3A_185] : memref<32x128xi32, #tpu.memory_space<hbm>> -> memref<1x128xi32, #tpu.memory_space<hbm>>
      %dma_wait3A_187 = arith.constant 0 : i32
      %dma_wait3A_188 = arith.constant 0 : i32
      %dma_wait3A_189 = tpu.memref_slice %arg20[%dma_wait3A_187, %dma_wait3A_188] : memref<50x128xi32, #tpu.memory_space<vmem>> -> memref<1x128xi32, #tpu.memory_space<vmem>>
      %dma_wait3A_190 = arith.constant 0 : i32
      %dma_wait3A_191 = tpu.memref_slice %arg7[%mul3A_156, %dma_wait3A_190] : memref<32x128xi32, #tpu.memory_space<hbm>> -> memref<1x128xi32, #tpu.memory_space<hbm>>
      tpu.wait_dma2 semaphore(%run_scoped3A : memref<!tpu.dma_semaphore, #tpu.memory_space<semaphore_mem>>) src(%dma_wait3A_191 : memref<1x128xi32, #tpu.memory_space<hbm>>) dst(%dma_wait3A_189 : memref<1x128xi32, #tpu.memory_space<vmem>>)
      tpu.yield
    }) : () -> ()
    %dma_start3A_159 = arith.constant 0 : i32
    %dma_start3A_160 = arith.constant 0 : i32
    %dma_start3A_161 = tpu.memref_slice %arg20[%dma_start3A_159, %dma_start3A_160] : memref<50x128xi32, #tpu.memory_space<vmem>> -> memref<1x128xi32, #tpu.memory_space<vmem>>
    %dma_start3A_162 = tpu.memref_squeeze %dma_start3A_161 : memref<1x128xi32, #tpu.memory_space<vmem>> -> memref<128xi32, #tpu.memory_space<vmem>>
    %dma_start3A_163 = arith.constant 0 : i32
    %dma_start3A_164 = arith.constant 0 : i32
    %dma_start3A_165 = tpu.memref_slice %arg13[%dma_start3A_163, %dma_start3A_164] : memref<100000x64xf32, #tpu.memory_space<hbm>> -> memref<100000x64xf32, #tpu.memory_space<hbm>>
    tpu.enqueue_indirect_dma source(%dma_start3A_165 : memref<100000x64xf32, #tpu.memory_space<hbm>>) target(%arg21 : memref<128x64xf32, #tpu.memory_space<vmem>>) offsets(%dma_start3A_162 : memref<128xi32, #tpu.memory_space<vmem>>) semaphore(%arg23 : memref<!tpu.dma_semaphore, #tpu.memory_space<semaphore_mem>>)
    %dma_wait3A_166 = arith.constant 0 : i32
    %dma_wait3A_167 = tpu.memref_slice %arg19[%mul3A_158, %dma_wait3A_166] : memref<4096x64xf32, #tpu.memory_space<hbm>> -> memref<128x64xf32, #tpu.memory_space<hbm>>
    %dma_wait3A_168 = arith.constant 0 : i32
    %dma_wait3A_169 = tpu.memref_slice %arg19[%mul3A_158, %dma_wait3A_168] : memref<4096x64xf32, #tpu.memory_space<hbm>> -> memref<128x64xf32, #tpu.memory_space<hbm>>
    tpu.wait_dma2 semaphore(%arg23 : memref<!tpu.dma_semaphore, #tpu.memory_space<semaphore_mem>>) src(%dma_wait3A_169 : memref<128x64xf32, #tpu.memory_space<hbm>>) dst(%arg21 : memref<128x64xf32, #tpu.memory_space<vmem>>)
    %add3A_170 = arith.constant 0 : i32
    %add3A_171 = arith.addi %mul3A_158, %add3A_170 : i32
    "tpu.region"() ({
      %run_scoped3A = tpu.sem_alloc : memref<!tpu.dma_semaphore, #tpu.memory_space<semaphore_mem>>
      %dma_start3A_172 = arith.constant 0 : i32
      %dma_start3A_173 = tpu.memref_slice %arg19[%add3A_171, %dma_start3A_172] : memref<4096x64xf32, #tpu.memory_space<hbm>> -> memref<128x64xf32, #tpu.memory_space<hbm>>
      %dma_start3A_174 = arith.constant 0 : i32
      %dma_start3A_175 = tpu.memref_slice %arg19[%add3A_171, %dma_start3A_174] : memref<4096x64xf32, #tpu.memory_space<hbm>> -> memref<128x64xf32, #tpu.memory_space<hbm>>
      tpu.enqueue_dma source(%arg21 : memref<128x64xf32, #tpu.memory_space<vmem>>) target(%dma_start3A_175 : memref<128x64xf32, #tpu.memory_space<hbm>>) target_semaphore(%run_scoped3A : memref<!tpu.dma_semaphore, #tpu.memory_space<semaphore_mem>>)
      %dma_wait3A_176 = arith.constant 0 : i32
      %dma_wait3A_177 = tpu.memref_slice %arg19[%add3A_171, %dma_wait3A_176] : memref<4096x64xf32, #tpu.memory_space<hbm>> -> memref<128x64xf32, #tpu.memory_space<hbm>>
      %dma_wait3A_178 = arith.constant 0 : i32
      %dma_wait3A_179 = tpu.memref_slice %arg19[%add3A_171, %dma_wait3A_178] : memref<4096x64xf32, #tpu.memory_space<hbm>> -> memref<128x64xf32, #tpu.memory_space<hbm>>
      tpu.wait_dma2 semaphore(%run_scoped3A : memref<!tpu.dma_semaphore, #tpu.memory_space<semaphore_mem>>) src(%arg21 : memref<128x64xf32, #tpu.memory_space<vmem>>) dst(%dma_wait3A_179 : memref<128x64xf32, #tpu.memory_space<hbm>>)
      tpu.yield
    }) : () -> ()
    return
  }
}

module attributes {stable_mosaic.version = 14 : i64} {
  func.func @_k1_body(%arg0: i32, %arg1: memref<2560x128xf32, #tpu.memory_space<vmem>>, %arg2: memref<2560x64xf32, #tpu.memory_space<vmem>>, %arg3: memref<1x1x2560xf32, #tpu.memory_space<vmem>>, %arg4: memref<1x1x2560xf32, #tpu.memory_space<vmem>>, %arg5: memref<256x2560xf32, #tpu.memory_space<vmem>>, %arg6: memref<128x64xf32, #tpu.memory_space<vmem>>, %arg7: memref<64x64xf32, #tpu.memory_space<vmem>>, %arg8: memref<64x64xf32, #tpu.memory_space<vmem>>, %arg9: memref<1x64xf32, #tpu.memory_space<vmem>>, %arg10: memref<1x64xf32, #tpu.memory_space<vmem>>, %arg11: memref<64x64xf32, #tpu.memory_space<vmem>>, %arg12: memref<1x64xf32, #tpu.memory_space<vmem>>, %arg13: memref<256x64xf32, #tpu.memory_space<vmem>>) attributes {dimension_semantics = [#tpu.dimension_semantics<arbitrary>], iteration_bounds = array<i64: 40>, scalar_prefetch = 0 : i64, scratch_operands = 0 : i64, tpu.core_type = #tpu.core_type<tc>, window_params = [{transform_indices = @transform_0, window_bounds = array<i64: 2560, 128>}, {transform_indices = @transform_1, window_bounds = array<i64: 2560, 64>}, {transform_indices = @transform_2, window_bounds = array<i64: 1, 1, 2560>}, {transform_indices = @transform_3, window_bounds = array<i64: 1, 1, 2560>}, {pipeline_mode = #tpu.pipeline_mode<synchronous>, transform_indices = @transform_4, window_bounds = array<i64: 256, 2560>}, {pipeline_mode = #tpu.pipeline_mode<synchronous>, transform_indices = @transform_5, window_bounds = array<i64: 128, 64>}, {pipeline_mode = #tpu.pipeline_mode<synchronous>, transform_indices = @transform_6, window_bounds = array<i64: 64, 64>}, {pipeline_mode = #tpu.pipeline_mode<synchronous>, transform_indices = @transform_7, window_bounds = array<i64: 64, 64>}, {pipeline_mode = #tpu.pipeline_mode<synchronous>, transform_indices = @transform_8, window_bounds = array<i64: 1, 64>}, {pipeline_mode = #tpu.pipeline_mode<synchronous>, transform_indices = @transform_9, window_bounds = array<i64: 1, 64>}, {pipeline_mode = #tpu.pipeline_mode<synchronous>, transform_indices = @transform_10, window_bounds = array<i64: 64, 64>}, {pipeline_mode = #tpu.pipeline_mode<synchronous>, transform_indices = @transform_11, window_bounds = array<i64: 1, 64>}, {transform_indices = @transform_12, window_bounds = array<i64: 256, 64>}]} {
    %get3A = arith.constant 0 : index
    %get3A_0 = arith.constant 0 : index
    %get3A_1 = vector.load %arg11[%get3A, %get3A_0] : memref<64x64xf32, #tpu.memory_space<vmem>>, vector<64x64xf32>
    %get3A_2 = arith.constant 0 : index
    %get3A_3 = arith.constant 0 : index
    %get3A_4 = vector.load %arg6[%get3A_2, %get3A_3] : memref<128x64xf32, #tpu.memory_space<vmem>>, vector<128x64xf32>
    %dot_general3A = arith.constant dense<0.000000e+00> : vector<128x64xf32>
    %dot_general3A_5 = tpu.matmul %get3A_4, %get3A_1, %dot_general3A {dimension_numbers = #tpu.dot_dimension_numbers<[1], [0], [0], [1], [0, 0, 1, 1], [], []>, transpose_lhs_hint = false} : vector<128x64xf32>, vector<64x64xf32>, vector<128x64xf32> -> vector<128x64xf32>
    %get3A_6 = arith.constant 0 : index
    %get3A_7 = arith.constant 0 : index
    %get3A_8 = vector.load %arg7[%get3A_6, %get3A_7] : memref<64x64xf32, #tpu.memory_space<vmem>>, vector<64x64xf32>
    %dot_general3A_9 = arith.constant dense<0.000000e+00> : vector<64x64xf32>
    %dot_general3A_10 = tpu.matmul %get3A_8, %get3A_1, %dot_general3A_9 {dimension_numbers = #tpu.dot_dimension_numbers<[1], [0], [0], [1], [0, 0, 1, 1], [], []>, transpose_lhs_hint = false} : vector<64x64xf32>, vector<64x64xf32>, vector<64x64xf32> -> vector<64x64xf32>
    %get3A_11 = arith.constant 0 : index
    %get3A_12 = arith.constant 0 : index
    %get3A_13 = vector.load %arg9[%get3A_11, %get3A_12] : memref<1x64xf32, #tpu.memory_space<vmem>>, vector<1x64xf32>
    %get3A_14 = arith.constant 0 : index
    %get3A_15 = arith.constant 0 : index
    %get3A_16 = vector.load %arg8[%get3A_14, %get3A_15] : memref<64x64xf32, #tpu.memory_space<vmem>>, vector<64x64xf32>
    %dot_general3A_17 = arith.constant dense<0.000000e+00> : vector<1x64xf32>
    %dot_general3A_18 = tpu.matmul %get3A_13, %get3A_16, %dot_general3A_17 {dimension_numbers = #tpu.dot_dimension_numbers<[1], [0], [0], [1], [0, 0, 1, 1], [], []>, transpose_lhs_hint = false} : vector<1x64xf32>, vector<64x64xf32>, vector<1x64xf32> -> vector<1x64xf32>
    %dot_general3A_19 = arith.constant dense<0.000000e+00> : vector<1x64xf32>
    %dot_general3A_20 = tpu.matmul %dot_general3A_18, %get3A_1, %dot_general3A_19 {dimension_numbers = #tpu.dot_dimension_numbers<[1], [0], [0], [1], [0, 0, 1, 1], [], []>, transpose_lhs_hint = false} : vector<1x64xf32>, vector<64x64xf32>, vector<1x64xf32> -> vector<1x64xf32>
    %get3A_21 = arith.constant 0 : index
    %get3A_22 = arith.constant 0 : index
    %get3A_23 = vector.load %arg10[%get3A_21, %get3A_22] : memref<1x64xf32, #tpu.memory_space<vmem>>, vector<1x64xf32>
    %dot_general3A_24 = arith.constant dense<0.000000e+00> : vector<1x64xf32>
    %dot_general3A_25 = tpu.matmul %get3A_23, %get3A_1, %dot_general3A_24 {dimension_numbers = #tpu.dot_dimension_numbers<[1], [0], [0], [1], [0, 0, 1, 1], [], []>, transpose_lhs_hint = false} : vector<1x64xf32>, vector<64x64xf32>, vector<1x64xf32> -> vector<1x64xf32>
    %get3A_26 = arith.constant 0 : index
    %get3A_27 = arith.constant 0 : index
    %get3A_28 = vector.load %arg12[%get3A_26, %get3A_27] : memref<1x64xf32, #tpu.memory_space<vmem>>, vector<1x64xf32>
    %add3A = arith.addf %dot_general3A_25, %get3A_28 : vector<1x64xf32>
    %get3A_29 = arith.constant 0 : index
    %get3A_30 = arith.constant 0 : index
    %get3A_31 = arith.constant 0 : index
    %get3A_32 = vector.load %arg3[%get3A_29, %get3A_30, %get3A_31] : memref<1x1x2560xf32, #tpu.memory_space<vmem>>, vector<1x1x2560xf32>
    %get3A_33 = vector.shape_cast %get3A_32 : vector<1x1x2560xf32> to vector<2560xf32>
    %get3A_34 = arith.constant 0 : index
    %get3A_35 = arith.constant 0 : index
    %get3A_36 = vector.load %arg1[%get3A_34, %get3A_35] : memref<2560x128xf32, #tpu.memory_space<vmem>>, vector<2560x128xf32>
    %dot_general3A_37 = arith.constant dense<0.000000e+00> : vector<2560x64xf32>
    %dot_general3A_38 = tpu.matmul %get3A_36, %dot_general3A_5, %dot_general3A_37 {dimension_numbers = #tpu.dot_dimension_numbers<[1], [0], [0], [1], [0, 0, 1, 1], [], []>, transpose_lhs_hint = false} : vector<2560x128xf32>, vector<128x64xf32>, vector<2560x64xf32> -> vector<2560x64xf32>
    %get3A_39 = arith.constant 0 : index
    %get3A_40 = arith.constant 0 : index
    %get3A_41 = vector.load %arg2[%get3A_39, %get3A_40] : memref<2560x64xf32, #tpu.memory_space<vmem>>, vector<2560x64xf32>
    %dot_general3A_42 = arith.constant dense<0.000000e+00> : vector<2560x64xf32>
    %dot_general3A_43 = tpu.matmul %get3A_41, %dot_general3A_10, %dot_general3A_42 {dimension_numbers = #tpu.dot_dimension_numbers<[1], [0], [0], [1], [0, 0, 1, 1], [], []>, transpose_lhs_hint = false} : vector<2560x64xf32>, vector<64x64xf32>, vector<2560x64xf32> -> vector<2560x64xf32>
    %add3A_44 = arith.addf %dot_general3A_38, %dot_general3A_43 : vector<2560x64xf32>
    %broadcast_in_dim3A = vector.shape_cast %get3A_33 : vector<2560xf32> to vector<2560x1xf32>
    %mul3A = vector.broadcast %broadcast_in_dim3A : vector<2560x1xf32> to vector<2560x64xf32>
    %mul3A_45 = vector.broadcast %dot_general3A_20 : vector<1x64xf32> to vector<2560x64xf32>
    %mul3A_46 = arith.mulf %mul3A, %mul3A_45 : vector<2560x64xf32>
    %add3A_47 = arith.addf %add3A_44, %mul3A_46 : vector<2560x64xf32>
    %add3A_48 = vector.broadcast %add3A : vector<1x64xf32> to vector<2560x64xf32>
    %add3A_49 = arith.addf %add3A_47, %add3A_48 : vector<2560x64xf32>
    %max3A = arith.constant 0.000000e+00 : f32
    %max3A_50 = vector.broadcast %max3A : f32 to vector<2560x64xf32>
    %max3A_51 = arith.maximumf %add3A_49, %max3A_50 : vector<2560x64xf32>
    %get3A_52 = arith.constant 0 : index
    %get3A_53 = arith.constant 0 : index
    %get3A_54 = arith.constant 0 : index
    %get3A_55 = vector.load %arg4[%get3A_52, %get3A_53, %get3A_54] : memref<1x1x2560xf32, #tpu.memory_space<vmem>>, vector<1x1x2560xf32>
    %get3A_56 = vector.shape_cast %get3A_55 : vector<1x1x2560xf32> to vector<2560xf32>
    %broadcast_in_dim3A_57 = vector.shape_cast %get3A_56 : vector<2560xf32> to vector<2560x1xf32>
    %mul3A_58 = vector.broadcast %broadcast_in_dim3A_57 : vector<2560x1xf32> to vector<2560x64xf32>
    %mul3A_59 = arith.mulf %max3A_51, %mul3A_58 : vector<2560x64xf32>
    %get3A_60 = arith.constant 0 : index
    %get3A_61 = arith.constant 0 : index
    %get3A_62 = vector.load %arg5[%get3A_60, %get3A_61] : memref<256x2560xf32, #tpu.memory_space<vmem>>, vector<256x2560xf32>
    %dot_general3A_63 = arith.constant dense<0.000000e+00> : vector<256x64xf32>
    %dot_general3A_64 = tpu.matmul %get3A_62, %mul3A_59, %dot_general3A_63 {dimension_numbers = #tpu.dot_dimension_numbers<[1], [0], [0], [1], [0, 0, 1, 1], [], []>, transpose_lhs_hint = false} : vector<256x2560xf32>, vector<2560x64xf32>, vector<256x64xf32> -> vector<256x64xf32>
    %swap3A = arith.constant 0 : index
    %swap3A_65 = arith.constant 0 : index
    %swap3A_66 = vector.load %arg13[%swap3A, %swap3A_65] : memref<256x64xf32, #tpu.memory_space<vmem>>, vector<256x64xf32>
    tpu.vector_store %arg13[%swap3A, %swap3A_65], %dot_general3A_64 {strides = array<i32>} : memref<256x64xf32, #tpu.memory_space<vmem>>, vector<256x64xf32>,
    return
  }
  func.func @transform_0(%arg0: i32) -> (i32, i32) {
    %c0_i32 = arith.constant 0 : i32
    %c0_i32_0 = arith.constant 0 : i32
    return %arg0, %c0_i32 : i32, i32
  }
  func.func @transform_1(%arg0: i32) -> (i32, i32) {
    %c0_i32 = arith.constant 0 : i32
    %c0_i32_0 = arith.constant 0 : i32
    return %arg0, %c0_i32 : i32, i32
  }
  func.func @transform_2(%arg0: i32) -> (i32, i32, i32) {
    %c0_i32 = arith.constant 0 : i32
    %c0_i32_0 = arith.constant 0 : i32
    %c0_i32_1 = arith.constant 0 : i32
    return %arg0, %c0_i32, %c0_i32_0 : i32, i32, i32
  }
  func.func @transform_3(%arg0: i32) -> (i32, i32, i32) {
    %c0_i32 = arith.constant 0 : i32
    %c0_i32_0 = arith.constant 0 : i32
    %c0_i32_1 = arith.constant 0 : i32
    return %arg0, %c0_i32, %c0_i32_0 : i32, i32, i32
  }
  func.func @transform_4(%arg0: i32) -> (i32, i32) {
    %c0_i32 = arith.constant 0 : i32
    %c0_i32_0 = arith.constant 0 : i32
    %c0_i32_1 = arith.constant 0 : i32
    return %c0_i32, %c0_i32_0 : i32, i32
  }
  func.func @transform_5(%arg0: i32) -> (i32, i32) {
    %c0_i32 = arith.constant 0 : i32
    %c0_i32_0 = arith.constant 0 : i32
    %c0_i32_1 = arith.constant 0 : i32
    return %c0_i32, %c0_i32_0 : i32, i32
  }
  func.func @transform_6(%arg0: i32) -> (i32, i32) {
    %c0_i32 = arith.constant 0 : i32
    %c0_i32_0 = arith.constant 0 : i32
    %c0_i32_1 = arith.constant 0 : i32
    return %c0_i32, %c0_i32_0 : i32, i32
  }
  func.func @transform_7(%arg0: i32) -> (i32, i32) {
    %c0_i32 = arith.constant 0 : i32
    %c0_i32_0 = arith.constant 0 : i32
    %c0_i32_1 = arith.constant 0 : i32
    return %c0_i32, %c0_i32_0 : i32, i32
  }
  func.func @transform_8(%arg0: i32) -> (i32, i32) {
    %c0_i32 = arith.constant 0 : i32
    %c0_i32_0 = arith.constant 0 : i32
    %c0_i32_1 = arith.constant 0 : i32
    return %c0_i32, %c0_i32_0 : i32, i32
  }
  func.func @transform_9(%arg0: i32) -> (i32, i32) {
    %c0_i32 = arith.constant 0 : i32
    %c0_i32_0 = arith.constant 0 : i32
    %c0_i32_1 = arith.constant 0 : i32
    return %c0_i32, %c0_i32_0 : i32, i32
  }
  func.func @transform_10(%arg0: i32) -> (i32, i32) {
    %c0_i32 = arith.constant 0 : i32
    %c0_i32_0 = arith.constant 0 : i32
    %c0_i32_1 = arith.constant 0 : i32
    return %c0_i32, %c0_i32_0 : i32, i32
  }
  func.func @transform_11(%arg0: i32) -> (i32, i32) {
    %c0_i32 = arith.constant 0 : i32
    %c0_i32_0 = arith.constant 0 : i32
    %c0_i32_1 = arith.constant 0 : i32
    return %c0_i32, %c0_i32_0 : i32, i32
  }
  func.func @transform_12(%arg0: i32) -> (i32, i32) {
    %c0_i32 = arith.constant 0 : i32
    %c0_i32_0 = arith.constant 0 : i32
    return %arg0, %c0_i32 : i32, i32
  }
}

module attributes {stable_mosaic.version = 14 : i64} {
  func.func @_k2_body(%arg0: i32, %arg1: memref<2560x128xf32, #tpu.memory_space<vmem>>, %arg2: memref<2560x64xf32, #tpu.memory_space<vmem>>, %arg3: memref<1x1x2560xf32, #tpu.memory_space<vmem>>, %arg4: memref<1x1x2560xf32, #tpu.memory_space<vmem>>, %arg5: memref<256x2560xf32, #tpu.memory_space<vmem>>, %arg6: memref<2560x64xf32, #tpu.memory_space<vmem>>, %arg7: memref<128x64xf32, #tpu.memory_space<vmem>>, %arg8: memref<64x64xf32, #tpu.memory_space<vmem>>, %arg9: memref<64x64xf32, #tpu.memory_space<vmem>>, %arg10: memref<1x64xf32, #tpu.memory_space<vmem>>, %arg11: memref<1x64xf32, #tpu.memory_space<vmem>>, %arg12: memref<64x64xf32, #tpu.memory_space<vmem>>, %arg13: memref<1x64xf32, #tpu.memory_space<vmem>>, %arg14: memref<64x64xf32, #tpu.memory_space<vmem>>, %arg15: memref<64x64xf32, #tpu.memory_space<vmem>>, %arg16: memref<1x64xf32, #tpu.memory_space<vmem>>, %arg17: memref<64x64xf32, #tpu.memory_space<vmem>>, %arg18: memref<1x64xf32, #tpu.memory_space<vmem>>, %arg19: memref<256x64xf32, #tpu.memory_space<vmem>>, %arg20: memref<256x64xf32, #tpu.memory_space<vmem>>) attributes {dimension_semantics = [#tpu.dimension_semantics<arbitrary>], iteration_bounds = array<i64: 4>, scalar_prefetch = 0 : i64, scratch_operands = 0 : i64, tpu.core_type = #tpu.core_type<tc>, window_params = [{transform_indices = @transform_0, window_bounds = array<i64: 2560, 128>}, {transform_indices = @transform_1, window_bounds = array<i64: 2560, 64>}, {transform_indices = @transform_2, window_bounds = array<i64: 1, 1, 2560>}, {transform_indices = @transform_3, window_bounds = array<i64: 1, 1, 2560>}, {pipeline_mode = #tpu.pipeline_mode<synchronous>, transform_indices = @transform_4, window_bounds = array<i64: 256, 2560>}, {transform_indices = @transform_5, window_bounds = array<i64: 2560, 64>}, {pipeline_mode = #tpu.pipeline_mode<synchronous>, transform_indices = @transform_6, window_bounds = array<i64: 128, 64>}, {pipeline_mode = #tpu.pipeline_mode<synchronous>, transform_indices = @transform_7, window_bounds = array<i64: 64, 64>}, {pipeline_mode = #tpu.pipeline_mode<synchronous>, transform_indices = @transform_8, window_bounds = array<i64: 64, 64>}, {pipeline_mode = #tpu.pipeline_mode<synchronous>, transform_indices = @transform_9, window_bounds = array<i64: 1, 64>}, {pipeline_mode = #tpu.pipeline_mode<synchronous>, transform_indices = @transform_10, window_bounds = array<i64: 1, 64>}, {pipeline_mode = #tpu.pipeline_mode<synchronous>, transform_indices = @transform_11, window_bounds = array<i64: 64, 64>}, {pipeline_mode = #tpu.pipeline_mode<synchronous>, transform_indices = @transform_12, window_bounds = array<i64: 1, 64>}, {pipeline_mode = #tpu.pipeline_mode<synchronous>, transform_indices = @transform_13, window_bounds = array<i64: 64, 64>}, {pipeline_mode = #tpu.pipeline_mode<synchronous>, transform_indices = @transform_14, window_bounds = array<i64: 64, 64>}, {pipeline_mode = #tpu.pipeline_mode<synchronous>, transform_indices = @transform_15, window_bounds = array<i64: 1, 64>}, {pipeline_mode = #tpu.pipeline_mode<synchronous>, transform_indices = @transform_16, window_bounds = array<i64: 64, 64>}, {pipeline_mode = #tpu.pipeline_mode<synchronous>, transform_indices = @transform_17, window_bounds = array<i64: 1, 64>}, {transform_indices = @transform_18, window_bounds = array<i64: 256, 64>}, {transform_indices = @transform_19, window_bounds = array<i64: 256, 64>}]} {
    %get3A = arith.constant 0 : index
    %get3A_0 = arith.constant 0 : index
    %get3A_1 = vector.load %arg10[%get3A, %get3A_0] : memref<1x64xf32, #tpu.memory_space<vmem>>, vector<1x64xf32>
    %get3A_2 = arith.constant 0 : index
    %get3A_3 = arith.constant 0 : index
    %get3A_4 = vector.load %arg9[%get3A_2, %get3A_3] : memref<64x64xf32, #tpu.memory_space<vmem>>, vector<64x64xf32>
    %dot_general3A = arith.constant dense<0.000000e+00> : vector<1x64xf32>
    %dot_general3A_5 = tpu.matmul %get3A_1, %get3A_4, %dot_general3A {dimension_numbers = #tpu.dot_dimension_numbers<[1], [0], [0], [1], [0, 0, 1, 1], [], []>, transpose_lhs_hint = false} : vector<1x64xf32>, vector<64x64xf32>, vector<1x64xf32> -> vector<1x64xf32>
    %get3A_6 = arith.constant 0 : index
    %get3A_7 = arith.constant 0 : index
    %get3A_8 = arith.constant 0 : index
    %get3A_9 = vector.load %arg3[%get3A_6, %get3A_7, %get3A_8] : memref<1x1x2560xf32, #tpu.memory_space<vmem>>, vector<1x1x2560xf32>
    %get3A_10 = vector.shape_cast %get3A_9 : vector<1x1x2560xf32> to vector<2560xf32>
    %get3A_11 = arith.constant 0 : index
    %get3A_12 = arith.constant 0 : index
    %get3A_13 = vector.load %arg1[%get3A_11, %get3A_12] : memref<2560x128xf32, #tpu.memory_space<vmem>>, vector<2560x128xf32>
    %get3A_14 = arith.constant 0 : index
    %get3A_15 = arith.constant 0 : index
    %get3A_16 = vector.load %arg7[%get3A_14, %get3A_15] : memref<128x64xf32, #tpu.memory_space<vmem>>, vector<128x64xf32>
    %dot_general3A_17 = arith.constant dense<0.000000e+00> : vector<2560x64xf32>
    %dot_general3A_18 = tpu.matmul %get3A_13, %get3A_16, %dot_general3A_17 {dimension_numbers = #tpu.dot_dimension_numbers<[1], [0], [0], [1], [0, 0, 1, 1], [], []>, transpose_lhs_hint = false} : vector<2560x128xf32>, vector<128x64xf32>, vector<2560x64xf32> -> vector<2560x64xf32>
    %get3A_19 = arith.constant 0 : index
    %get3A_20 = arith.constant 0 : index
    %get3A_21 = vector.load %arg2[%get3A_19, %get3A_20] : memref<2560x64xf32, #tpu.memory_space<vmem>>, vector<2560x64xf32>
    %get3A_22 = arith.constant 0 : index
    %get3A_23 = arith.constant 0 : index
    %get3A_24 = vector.load %arg8[%get3A_22, %get3A_23] : memref<64x64xf32, #tpu.memory_space<vmem>>, vector<64x64xf32>
    %dot_general3A_25 = arith.constant dense<0.000000e+00> : vector<2560x64xf32>
    %dot_general3A_26 = tpu.matmul %get3A_21, %get3A_24, %dot_general3A_25 {dimension_numbers = #tpu.dot_dimension_numbers<[1], [0], [0], [1], [0, 0, 1, 1], [], []>, transpose_lhs_hint = false} : vector<2560x64xf32>, vector<64x64xf32>, vector<2560x64xf32> -> vector<2560x64xf32>
    %add3A = arith.addf %dot_general3A_18, %dot_general3A_26 : vector<2560x64xf32>
    %broadcast_in_dim3A = vector.shape_cast %get3A_10 : vector<2560xf32> to vector<2560x1xf32>
    %mul3A = vector.broadcast %broadcast_in_dim3A : vector<2560x1xf32> to vector<2560x64xf32>
    %mul3A_27 = vector.broadcast %dot_general3A_5 : vector<1x64xf32> to vector<2560x64xf32>
    %mul3A_28 = arith.mulf %mul3A, %mul3A_27 : vector<2560x64xf32>
    %add3A_29 = arith.addf %add3A, %mul3A_28 : vector<2560x64xf32>
    %get3A_30 = arith.constant 0 : index
    %get3A_31 = arith.constant 0 : index
    %get3A_32 = vector.load %arg11[%get3A_30, %get3A_31] : memref<1x64xf32, #tpu.memory_space<vmem>>, vector<1x64xf32>
    %add3A_33 = vector.broadcast %get3A_32 : vector<1x64xf32> to vector<2560x64xf32>
    %add3A_34 = arith.addf %add3A_29, %add3A_33 : vector<2560x64xf32>
    %get3A_35 = arith.constant 0 : index
    %get3A_36 = arith.constant 0 : index
    %get3A_37 = arith.constant 0 : index
    %get3A_38 = vector.load %arg4[%get3A_35, %get3A_36, %get3A_37] : memref<1x1x2560xf32, #tpu.memory_space<vmem>>, vector<1x1x2560xf32>
    %get3A_39 = vector.shape_cast %get3A_38 : vector<1x1x2560xf32> to vector<2560xf32>
    %broadcast_in_dim3A_40 = vector.shape_cast %get3A_39 : vector<2560xf32> to vector<2560x1xf32>
    %get3A_41 = arith.constant 0 : index
    %get3A_42 = arith.constant 0 : index
    %get3A_43 = vector.load %arg12[%get3A_41, %get3A_42] : memref<64x64xf32, #tpu.memory_space<vmem>>, vector<64x64xf32>
    %dot_general3A_44 = arith.constant dense<0.000000e+00> : vector<2560x64xf32>
    %dot_general3A_45 = tpu.matmul %add3A_34, %get3A_43, %dot_general3A_44 {dimension_numbers = #tpu.dot_dimension_numbers<[1], [0], [0], [1], [0, 0, 1, 1], [], []>, transpose_lhs_hint = false} : vector<2560x64xf32>, vector<64x64xf32>, vector<2560x64xf32> -> vector<2560x64xf32>
    %get3A_46 = arith.constant 0 : index
    %get3A_47 = arith.constant 0 : index
    %get3A_48 = vector.load %arg13[%get3A_46, %get3A_47] : memref<1x64xf32, #tpu.memory_space<vmem>>, vector<1x64xf32>
    %add3A_49 = vector.broadcast %get3A_48 : vector<1x64xf32> to vector<2560x64xf32>
    %add3A_50 = arith.addf %dot_general3A_45, %add3A_49 : vector<2560x64xf32>
    %max3A = arith.constant 0.000000e+00 : f32
    %max3A_51 = vector.broadcast %max3A : f32 to vector<2560x64xf32>
    %max3A_52 = arith.maximumf %add3A_50, %max3A_51 : vector<2560x64xf32>
    %mul3A_53 = vector.broadcast %broadcast_in_dim3A_40 : vector<2560x1xf32> to vector<2560x64xf32>
    %mul3A_54 = arith.mulf %max3A_52, %mul3A_53 : vector<2560x64xf32>
    %get3A_55 = arith.constant 0 : index
    %get3A_56 = arith.constant 0 : index
    %get3A_57 = vector.load %arg5[%get3A_55, %get3A_56] : memref<256x2560xf32, #tpu.memory_space<vmem>>, vector<256x2560xf32>
    %dot_general3A_58 = arith.constant dense<0.000000e+00> : vector<256x64xf32>
    %dot_general3A_59 = tpu.matmul %get3A_57, %mul3A_54, %dot_general3A_58 {dimension_numbers = #tpu.dot_dimension_numbers<[1], [0], [0], [1], [0, 0, 1, 1], [], []>, transpose_lhs_hint = false} : vector<256x2560xf32>, vector<2560x64xf32>, vector<256x64xf32> -> vector<256x64xf32>
    %swap3A = arith.constant 0 : index
    %swap3A_60 = arith.constant 0 : index
    %swap3A_61 = vector.load %arg19[%swap3A, %swap3A_60] : memref<256x64xf32, #tpu.memory_space<vmem>>, vector<256x64xf32>
    tpu.vector_store %arg19[%swap3A, %swap3A_60], %dot_general3A_59 {strides = array<i32>} : memref<256x64xf32, #tpu.memory_space<vmem>>, vector<256x64xf32>,
    %get3A_62 = arith.constant 0 : index
    %get3A_63 = arith.constant 0 : index
    %get3A_64 = vector.load %arg14[%get3A_62, %get3A_63] : memref<64x64xf32, #tpu.memory_space<vmem>>, vector<64x64xf32>
    %dot_general3A_65 = arith.constant dense<0.000000e+00> : vector<2560x64xf32>
    %dot_general3A_66 = tpu.matmul %add3A_34, %get3A_64, %dot_general3A_65 {dimension_numbers = #tpu.dot_dimension_numbers<[1], [0], [0], [1], [0, 0, 1, 1], [], []>, transpose_lhs_hint = false} : vector<2560x64xf32>, vector<64x64xf32>, vector<2560x64xf32> -> vector<2560x64xf32>
    %get3A_67 = arith.constant 0 : index
    %get3A_68 = arith.constant 0 : index
    %get3A_69 = vector.load %arg6[%get3A_67, %get3A_68] : memref<2560x64xf32, #tpu.memory_space<vmem>>, vector<2560x64xf32>
    %get3A_70 = arith.constant 0 : index
    %get3A_71 = arith.constant 0 : index
    %get3A_72 = vector.load %arg15[%get3A_70, %get3A_71] : memref<64x64xf32, #tpu.memory_space<vmem>>, vector<64x64xf32>
    %dot_general3A_73 = arith.constant dense<0.000000e+00> : vector<2560x64xf32>
    %dot_general3A_74 = tpu.matmul %get3A_69, %get3A_72, %dot_general3A_73 {dimension_numbers = #tpu.dot_dimension_numbers<[1], [0], [0], [1], [0, 0, 1, 1], [], []>, transpose_lhs_hint = false} : vector<2560x64xf32>, vector<64x64xf32>, vector<2560x64xf32> -> vector<2560x64xf32>
    %add3A_75 = arith.addf %dot_general3A_66, %dot_general3A_74 : vector<2560x64xf32>
    %get3A_76 = arith.constant 0 : index
    %get3A_77 = arith.constant 0 : index
    %get3A_78 = vector.load %arg16[%get3A_76, %get3A_77] : memref<1x64xf32, #tpu.memory_space<vmem>>, vector<1x64xf32>
    %add3A_79 = vector.broadcast %get3A_78 : vector<1x64xf32> to vector<2560x64xf32>
    %add3A_80 = arith.addf %add3A_75, %add3A_79 : vector<2560x64xf32>
    %max3A_81 = arith.constant 0.000000e+00 : f32
    %max3A_82 = vector.broadcast %max3A_81 : f32 to vector<2560x64xf32>
    %max3A_83 = arith.maximumf %add3A_80, %max3A_82 : vector<2560x64xf32>
    %mul3A_84 = arith.mulf %max3A_83, %max3A_83 : vector<2560x64xf32>
    %reduce_sum3A = arith.constant dense<0.000000e+00> : vector<2560xf32>
    %reduce_sum3A_85 = vector.multi_reduction <add>, %mul3A_84, %reduce_sum3A [1] : vector<2560x64xf32> to vector<2560xf32>
    %broadcast_in_dim3A_86 = vector.shape_cast %reduce_sum3A_85 : vector<2560xf32> to vector<2560x1xf32>
    %sqrt3A = math.sqrt %broadcast_in_dim3A_86 : vector<2560x1xf32>
    %eq3A = arith.constant 0.000000e+00 : f32
    %eq3A_87 = vector.broadcast %eq3A : f32 to vector<2560x1xf32>
    %eq3A_88 = arith.cmpf oeq, %sqrt3A, %eq3A_87 : vector<2560x1xf32>
    %jit3A = arith.constant 1.000000e+00 : f32
    %broadcast_in_dim3A_89 = vector.broadcast %jit3A : f32 to vector<2560x1xf32>
    %select_n3A = arith.select %eq3A_88, %broadcast_in_dim3A_89, %sqrt3A : vector<2560x1xi1>, vector<2560x1xf32>
    %div3A = vector.broadcast %select_n3A : vector<2560x1xf32> to vector<2560x64xf32>
    %div3A_90 = arith.divf %max3A_83, %div3A : vector<2560x64xf32>
    %get3A_91 = arith.constant 0 : index
    %get3A_92 = arith.constant 0 : index
    %get3A_93 = vector.load %arg17[%get3A_91, %get3A_92] : memref<64x64xf32, #tpu.memory_space<vmem>>, vector<64x64xf32>
    %dot_general3A_94 = arith.constant dense<0.000000e+00> : vector<2560x64xf32>
    %dot_general3A_95 = tpu.matmul %div3A_90, %get3A_93, %dot_general3A_94 {dimension_numbers = #tpu.dot_dimension_numbers<[1], [0], [0], [1], [0, 0, 1, 1], [], []>, transpose_lhs_hint = false} : vector<2560x64xf32>, vector<64x64xf32>, vector<2560x64xf32> -> vector<2560x64xf32>
    %get3A_96 = arith.constant 0 : index
    %get3A_97 = arith.constant 0 : index
    %get3A_98 = vector.load %arg18[%get3A_96, %get3A_97] : memref<1x64xf32, #tpu.memory_space<vmem>>, vector<1x64xf32>
    %add3A_99 = vector.broadcast %get3A_98 : vector<1x64xf32> to vector<2560x64xf32>
    %add3A_100 = arith.addf %dot_general3A_95, %add3A_99 : vector<2560x64xf32>
    %max3A_101 = arith.constant 0.000000e+00 : f32
    %max3A_102 = vector.broadcast %max3A_101 : f32 to vector<2560x64xf32>
    %max3A_103 = arith.maximumf %add3A_100, %max3A_102 : vector<2560x64xf32>
    %mul3A_104 = vector.broadcast %broadcast_in_dim3A_40 : vector<2560x1xf32> to vector<2560x64xf32>
    %mul3A_105 = arith.mulf %max3A_103, %mul3A_104 : vector<2560x64xf32>
    %get3A_106 = arith.constant 0 : index
    %get3A_107 = arith.constant 0 : index
    %get3A_108 = vector.load %arg5[%get3A_106, %get3A_107] : memref<256x2560xf32, #tpu.memory_space<vmem>>, vector<256x2560xf32>
    %dot_general3A_109 = arith.constant dense<0.000000e+00> : vector<256x64xf32>
    %dot_general3A_110 = tpu.matmul %get3A_108, %mul3A_105, %dot_general3A_109 {dimension_numbers = #tpu.dot_dimension_numbers<[1], [0], [0], [1], [0, 0, 1, 1], [], []>, transpose_lhs_hint = false} : vector<256x2560xf32>, vector<2560x64xf32>, vector<256x64xf32> -> vector<256x64xf32>
    %swap3A_111 = arith.constant 0 : index
    %swap3A_112 = arith.constant 0 : index
    %swap3A_113 = vector.load %arg20[%swap3A_111, %swap3A_112] : memref<256x64xf32, #tpu.memory_space<vmem>>, vector<256x64xf32>
    tpu.vector_store %arg20[%swap3A_111, %swap3A_112], %dot_general3A_110 {strides = array<i32>} : memref<256x64xf32, #tpu.memory_space<vmem>>, vector<256x64xf32>,
    return
  }
  func.func @transform_0(%arg0: i32) -> (i32, i32) {
    %c0_i32 = arith.constant 0 : i32
    %c0_i32_0 = arith.constant 0 : i32
    return %arg0, %c0_i32 : i32, i32
  }
  func.func @transform_1(%arg0: i32) -> (i32, i32) {
    %c0_i32 = arith.constant 0 : i32
    %c0_i32_0 = arith.constant 0 : i32
    return %arg0, %c0_i32 : i32, i32
  }
  func.func @transform_2(%arg0: i32) -> (i32, i32, i32) {
    %c0_i32 = arith.constant 0 : i32
    %c0_i32_0 = arith.constant 0 : i32
    %c0_i32_1 = arith.constant 0 : i32
    return %arg0, %c0_i32, %c0_i32_0 : i32, i32, i32
  }
  func.func @transform_3(%arg0: i32) -> (i32, i32, i32) {
    %c0_i32 = arith.constant 0 : i32
    %c0_i32_0 = arith.constant 0 : i32
    %c0_i32_1 = arith.constant 0 : i32
    return %arg0, %c0_i32, %c0_i32_0 : i32, i32, i32
  }
  func.func @transform_4(%arg0: i32) -> (i32, i32) {
    %c0_i32 = arith.constant 0 : i32
    %c0_i32_0 = arith.constant 0 : i32
    %c0_i32_1 = arith.constant 0 : i32
    return %c0_i32, %c0_i32_0 : i32, i32
  }
  func.func @transform_5(%arg0: i32) -> (i32, i32) {
    %c0_i32 = arith.constant 0 : i32
    %c0_i32_0 = arith.constant 0 : i32
    return %arg0, %c0_i32 : i32, i32
  }
  func.func @transform_6(%arg0: i32) -> (i32, i32) {
    %c0_i32 = arith.constant 0 : i32
    %c0_i32_0 = arith.constant 0 : i32
    %c0_i32_1 = arith.constant 0 : i32
    return %c0_i32, %c0_i32_0 : i32, i32
  }
  func.func @transform_7(%arg0: i32) -> (i32, i32) {
    %c0_i32 = arith.constant 0 : i32
    %c0_i32_0 = arith.constant 0 : i32
    %c0_i32_1 = arith.constant 0 : i32
    return %c0_i32, %c0_i32_0 : i32, i32
  }
  func.func @transform_8(%arg0: i32) -> (i32, i32) {
    %c0_i32 = arith.constant 0 : i32
    %c0_i32_0 = arith.constant 0 : i32
    %c0_i32_1 = arith.constant 0 : i32
    return %c0_i32, %c0_i32_0 : i32, i32
  }
  func.func @transform_9(%arg0: i32) -> (i32, i32) {
    %c0_i32 = arith.constant 0 : i32
    %c0_i32_0 = arith.constant 0 : i32
    %c0_i32_1 = arith.constant 0 : i32
    return %c0_i32, %c0_i32_0 : i32, i32
  }
  func.func @transform_10(%arg0: i32) -> (i32, i32) {
    %c0_i32 = arith.constant 0 : i32
    %c0_i32_0 = arith.constant 0 : i32
    %c0_i32_1 = arith.constant 0 : i32
    return %c0_i32, %c0_i32_0 : i32, i32
  }
  func.func @transform_11(%arg0: i32) -> (i32, i32) {
    %c0_i32 = arith.constant 0 : i32
    %c0_i32_0 = arith.constant 0 : i32
    %c0_i32_1 = arith.constant 0 : i32
    return %c0_i32, %c0_i32_0 : i32, i32
  }
  func.func @transform_12(%arg0: i32) -> (i32, i32) {
    %c0_i32 = arith.constant 0 : i32
    %c0_i32_0 = arith.constant 0 : i32
    %c0_i32_1 = arith.constant 0 : i32
    return %c0_i32, %c0_i32_0 : i32, i32
  }
  func.func @transform_13(%arg0: i32) -> (i32, i32) {
    %c0_i32 = arith.constant 0 : i32
    %c0_i32_0 = arith.constant 0 : i32
    %c0_i32_1 = arith.constant 0 : i32
    return %c0_i32, %c0_i32_0 : i32, i32
  }
  func.func @transform_14(%arg0: i32) -> (i32, i32) {
    %c0_i32 = arith.constant 0 : i32
    %c0_i32_0 = arith.constant 0 : i32
    %c0_i32_1 = arith.constant 0 : i32
    return %c0_i32, %c0_i32_0 : i32, i32
  }
  func.func @transform_15(%arg0: i32) -> (i32, i32) {
    %c0_i32 = arith.constant 0 : i32
    %c0_i32_0 = arith.constant 0 : i32
    %c0_i32_1 = arith.constant 0 : i32
    return %c0_i32, %c0_i32_0 : i32, i32
  }
  func.func @transform_16(%arg0: i32) -> (i32, i32) {
    %c0_i32 = arith.constant 0 : i32
    %c0_i32_0 = arith.constant 0 : i32
    %c0_i32_1 = arith.constant 0 : i32
    return %c0_i32, %c0_i32_0 : i32, i32
  }
  func.func @transform_17(%arg0: i32) -> (i32, i32) {
    %c0_i32 = arith.constant 0 : i32
    %c0_i32_0 = arith.constant 0 : i32
    %c0_i32_1 = arith.constant 0 : i32
    return %c0_i32, %c0_i32_0 : i32, i32
  }
  func.func @transform_18(%arg0: i32) -> (i32, i32) {
    %c0_i32 = arith.constant 0 : i32
    %c0_i32_0 = arith.constant 0 : i32
    return %arg0, %c0_i32 : i32, i32
  }
  func.func @transform_19(%arg0: i32) -> (i32, i32) {
    %c0_i32 = arith.constant 0 : i32
    %c0_i32_0 = arith.constant 0 : i32
    return %arg0, %c0_i32 : i32, i32
  }
}

module attributes {stable_mosaic.version = 14 : i64} {
  func.func @_k3_body(%arg0: i32, %arg1: memref<1024x128xf32, #tpu.memory_space<vmem>>, %arg2: memref<1024x64xf32, #tpu.memory_space<vmem>>, %arg3: memref<1x1x1024xf32, #tpu.memory_space<vmem>>, %arg4: memref<1024x64xf32, #tpu.memory_space<vmem>>, %arg5: memref<1024x64xf32, #tpu.memory_space<vmem>>, %arg6: memref<128x64xf32, #tpu.memory_space<vmem>>, %arg7: memref<64x64xf32, #tpu.memory_space<vmem>>, %arg8: memref<64x64xf32, #tpu.memory_space<vmem>>, %arg9: memref<1x64xf32, #tpu.memory_space<vmem>>, %arg10: memref<1x64xf32, #tpu.memory_space<vmem>>, %arg11: memref<64x64xf32, #tpu.memory_space<vmem>>, %arg12: memref<64x64xf32, #tpu.memory_space<vmem>>, %arg13: memref<1x64xf32, #tpu.memory_space<vmem>>, %arg14: memref<64x64xf32, #tpu.memory_space<vmem>>, %arg15: memref<64x64xf32, #tpu.memory_space<vmem>>, %arg16: memref<1x64xf32, #tpu.memory_space<vmem>>, %arg17: memref<64x64xf32, #tpu.memory_space<vmem>>, %arg18: memref<1x64xf32, #tpu.memory_space<vmem>>, %arg19: memref<64x64xf32, #tpu.memory_space<vmem>>, %arg20: memref<1024x64xf32, #tpu.memory_space<vmem>>) attributes {dimension_semantics = [#tpu.dimension_semantics<arbitrary>], iteration_bounds = array<i64: 1>, scalar_prefetch = 0 : i64, scratch_operands = 0 : i64, tpu.core_type = #tpu.core_type<tc>, window_params = [{transform_indices = @transform_0, window_bounds = array<i64: 1024, 128>}, {transform_indices = @transform_1, window_bounds = array<i64: 1024, 64>}, {pipeline_mode = #tpu.pipeline_mode<synchronous>, transform_indices = @transform_2, window_bounds = array<i64: 1, 1, 1024>}, {pipeline_mode = #tpu.pipeline_mode<synchronous>, transform_indices = @transform_3, window_bounds = array<i64: 1024, 64>}, {pipeline_mode = #tpu.pipeline_mode<synchronous>, transform_indices = @transform_4, window_bounds = array<i64: 1024, 64>}, {pipeline_mode = #tpu.pipeline_mode<synchronous>, transform_indices = @transform_5, window_bounds = array<i64: 128, 64>}, {pipeline_mode = #tpu.pipeline_mode<synchronous>, transform_indices = @transform_6, window_bounds = array<i64: 64, 64>}, {pipeline_mode = #tpu.pipeline_mode<synchronous>, transform_indices = @transform_7, window_bounds = array<i64: 64, 64>}, {pipeline_mode = #tpu.pipeline_mode<synchronous>, transform_indices = @transform_8, window_bounds = array<i64: 1, 64>}, {pipeline_mode = #tpu.pipeline_mode<synchronous>, transform_indices = @transform_9, window_bounds = array<i64: 1, 64>}, {pipeline_mode = #tpu.pipeline_mode<synchronous>, transform_indices = @transform_10, window_bounds = array<i64: 64, 64>}, {pipeline_mode = #tpu.pipeline_mode<synchronous>, transform_indices = @transform_11, window_bounds = array<i64: 64, 64>}, {pipeline_mode = #tpu.pipeline_mode<synchronous>, transform_indices = @transform_12, window_bounds = array<i64: 1, 64>}, {pipeline_mode = #tpu.pipeline_mode<synchronous>, transform_indices = @transform_13, window_bounds = array<i64: 64, 64>}, {pipeline_mode = #tpu.pipeline_mode<synchronous>, transform_indices = @transform_14, window_bounds = array<i64: 64, 64>}, {pipeline_mode = #tpu.pipeline_mode<synchronous>, transform_indices = @transform_15, window_bounds = array<i64: 1, 64>}, {pipeline_mode = #tpu.pipeline_mode<synchronous>, transform_indices = @transform_16, window_bounds = array<i64: 64, 64>}, {pipeline_mode = #tpu.pipeline_mode<synchronous>, transform_indices = @transform_17, window_bounds = array<i64: 1, 64>}, {pipeline_mode = #tpu.pipeline_mode<synchronous>, transform_indices = @transform_18, window_bounds = array<i64: 64, 64>}, {pipeline_mode = #tpu.pipeline_mode<synchronous>, transform_indices = @transform_19, window_bounds = array<i64: 1024, 64>}]} {
    %get3A = arith.constant 0 : index
    %get3A_0 = arith.constant 0 : index
    %get3A_1 = vector.load %arg9[%get3A, %get3A_0] : memref<1x64xf32, #tpu.memory_space<vmem>>, vector<1x64xf32>
    %get3A_2 = arith.constant 0 : index
    %get3A_3 = arith.constant 0 : index
    %get3A_4 = vector.load %arg8[%get3A_2, %get3A_3] : memref<64x64xf32, #tpu.memory_space<vmem>>, vector<64x64xf32>
    %dot_general3A = arith.constant dense<0.000000e+00> : vector<1x64xf32>
    %dot_general3A_5 = tpu.matmul %get3A_1, %get3A_4, %dot_general3A {dimension_numbers = #tpu.dot_dimension_numbers<[1], [0], [0], [1], [0, 0, 1, 1], [], []>, transpose_lhs_hint = false} : vector<1x64xf32>, vector<64x64xf32>, vector<1x64xf32> -> vector<1x64xf32>
    %get3A_6 = arith.constant 0 : index
    %get3A_7 = arith.constant 0 : index
    %get3A_8 = arith.constant 0 : index
    %get3A_9 = vector.load %arg3[%get3A_6, %get3A_7, %get3A_8] : memref<1x1x1024xf32, #tpu.memory_space<vmem>>, vector<1x1x1024xf32>
    %get3A_10 = vector.shape_cast %get3A_9 : vector<1x1x1024xf32> to vector<1024xf32>
    %get3A_11 = arith.constant 0 : index
    %get3A_12 = arith.constant 0 : index
    %get3A_13 = vector.load %arg1[%get3A_11, %get3A_12] : memref<1024x128xf32, #tpu.memory_space<vmem>>, vector<1024x128xf32>
    %get3A_14 = arith.constant 0 : index
    %get3A_15 = arith.constant 0 : index
    %get3A_16 = vector.load %arg6[%get3A_14, %get3A_15] : memref<128x64xf32, #tpu.memory_space<vmem>>, vector<128x64xf32>
    %dot_general3A_17 = arith.constant dense<0.000000e+00> : vector<1024x64xf32>
    %dot_general3A_18 = tpu.matmul %get3A_13, %get3A_16, %dot_general3A_17 {dimension_numbers = #tpu.dot_dimension_numbers<[1], [0], [0], [1], [0, 0, 1, 1], [], []>, transpose_lhs_hint = false} : vector<1024x128xf32>, vector<128x64xf32>, vector<1024x64xf32> -> vector<1024x64xf32>
    %get3A_19 = arith.constant 0 : index
    %get3A_20 = arith.constant 0 : index
    %get3A_21 = vector.load %arg2[%get3A_19, %get3A_20] : memref<1024x64xf32, #tpu.memory_space<vmem>>, vector<1024x64xf32>
    %get3A_22 = arith.constant 0 : index
    %get3A_23 = arith.constant 0 : index
    %get3A_24 = vector.load %arg7[%get3A_22, %get3A_23] : memref<64x64xf32, #tpu.memory_space<vmem>>, vector<64x64xf32>
    %dot_general3A_25 = arith.constant dense<0.000000e+00> : vector<1024x64xf32>
    %dot_general3A_26 = tpu.matmul %get3A_21, %get3A_24, %dot_general3A_25 {dimension_numbers = #tpu.dot_dimension_numbers<[1], [0], [0], [1], [0, 0, 1, 1], [], []>, transpose_lhs_hint = false} : vector<1024x64xf32>, vector<64x64xf32>, vector<1024x64xf32> -> vector<1024x64xf32>
    %add3A = arith.addf %dot_general3A_18, %dot_general3A_26 : vector<1024x64xf32>
    %broadcast_in_dim3A = vector.shape_cast %get3A_10 : vector<1024xf32> to vector<1024x1xf32>
    %mul3A = vector.broadcast %broadcast_in_dim3A : vector<1024x1xf32> to vector<1024x64xf32>
    %mul3A_27 = vector.broadcast %dot_general3A_5 : vector<1x64xf32> to vector<1024x64xf32>
    %mul3A_28 = arith.mulf %mul3A, %mul3A_27 : vector<1024x64xf32>
    %add3A_29 = arith.addf %add3A, %mul3A_28 : vector<1024x64xf32>
    %get3A_30 = arith.constant 0 : index
    %get3A_31 = arith.constant 0 : index
    %get3A_32 = vector.load %arg10[%get3A_30, %get3A_31] : memref<1x64xf32, #tpu.memory_space<vmem>>, vector<1x64xf32>
    %add3A_33 = vector.broadcast %get3A_32 : vector<1x64xf32> to vector<1024x64xf32>
    %add3A_34 = arith.addf %add3A_29, %add3A_33 : vector<1024x64xf32>
    %get3A_35 = arith.constant 0 : index
    %get3A_36 = arith.constant 0 : index
    %get3A_37 = vector.load %arg11[%get3A_35, %get3A_36] : memref<64x64xf32, #tpu.memory_space<vmem>>, vector<64x64xf32>
    %dot_general3A_38 = arith.constant dense<0.000000e+00> : vector<1024x64xf32>
    %dot_general3A_39 = tpu.matmul %add3A_34, %get3A_37, %dot_general3A_38 {dimension_numbers = #tpu.dot_dimension_numbers<[1], [0], [0], [1], [0, 0, 1, 1], [], []>, transpose_lhs_hint = false} : vector<1024x64xf32>, vector<64x64xf32>, vector<1024x64xf32> -> vector<1024x64xf32>
    %get3A_40 = arith.constant 0 : index
    %get3A_41 = arith.constant 0 : index
    %get3A_42 = vector.load %arg4[%get3A_40, %get3A_41] : memref<1024x64xf32, #tpu.memory_space<vmem>>, vector<1024x64xf32>
    %get3A_43 = arith.constant 0 : index
    %get3A_44 = arith.constant 0 : index
    %get3A_45 = vector.load %arg12[%get3A_43, %get3A_44] : memref<64x64xf32, #tpu.memory_space<vmem>>, vector<64x64xf32>
    %dot_general3A_46 = arith.constant dense<0.000000e+00> : vector<1024x64xf32>
    %dot_general3A_47 = tpu.matmul %get3A_42, %get3A_45, %dot_general3A_46 {dimension_numbers = #tpu.dot_dimension_numbers<[1], [0], [0], [1], [0, 0, 1, 1], [], []>, transpose_lhs_hint = false} : vector<1024x64xf32>, vector<64x64xf32>, vector<1024x64xf32> -> vector<1024x64xf32>
    %add3A_48 = arith.addf %dot_general3A_39, %dot_general3A_47 : vector<1024x64xf32>
    %get3A_49 = arith.constant 0 : index
    %get3A_50 = arith.constant 0 : index
    %get3A_51 = vector.load %arg13[%get3A_49, %get3A_50] : memref<1x64xf32, #tpu.memory_space<vmem>>, vector<1x64xf32>
    %add3A_52 = vector.broadcast %get3A_51 : vector<1x64xf32> to vector<1024x64xf32>
    %add3A_53 = arith.addf %add3A_48, %add3A_52 : vector<1024x64xf32>
    %max3A = arith.constant 0.000000e+00 : f32
    %max3A_54 = vector.broadcast %max3A : f32 to vector<1024x64xf32>
    %max3A_55 = arith.maximumf %add3A_53, %max3A_54 : vector<1024x64xf32>
    %mul3A_56 = arith.mulf %max3A_55, %max3A_55 : vector<1024x64xf32>
    %reduce_sum3A = arith.constant dense<0.000000e+00> : vector<1024xf32>
    %reduce_sum3A_57 = vector.multi_reduction <add>, %mul3A_56, %reduce_sum3A [1] : vector<1024x64xf32> to vector<1024xf32>
    %broadcast_in_dim3A_58 = vector.shape_cast %reduce_sum3A_57 : vector<1024xf32> to vector<1024x1xf32>
    %sqrt3A = math.sqrt %broadcast_in_dim3A_58 : vector<1024x1xf32>
    %eq3A = arith.constant 0.000000e+00 : f32
    %eq3A_59 = vector.broadcast %eq3A : f32 to vector<1024x1xf32>
    %eq3A_60 = arith.cmpf oeq, %sqrt3A, %eq3A_59 : vector<1024x1xf32>
    %jit3A = arith.constant 1.000000e+00 : f32
    %broadcast_in_dim3A_61 = vector.broadcast %jit3A : f32 to vector<1024x1xf32>
    %select_n3A = arith.select %eq3A_60, %broadcast_in_dim3A_61, %sqrt3A : vector<1024x1xi1>, vector<1024x1xf32>
    %div3A = vector.broadcast %select_n3A : vector<1024x1xf32> to vector<1024x64xf32>
    %div3A_62 = arith.divf %max3A_55, %div3A : vector<1024x64xf32>
    %get3A_63 = arith.constant 0 : index
    %get3A_64 = arith.constant 0 : index
    %get3A_65 = vector.load %arg14[%get3A_63, %get3A_64] : memref<64x64xf32, #tpu.memory_space<vmem>>, vector<64x64xf32>
    %dot_general3A_66 = arith.constant dense<0.000000e+00> : vector<1024x64xf32>
    %dot_general3A_67 = tpu.matmul %div3A_62, %get3A_65, %dot_general3A_66 {dimension_numbers = #tpu.dot_dimension_numbers<[1], [0], [0], [1], [0, 0, 1, 1], [], []>, transpose_lhs_hint = false} : vector<1024x64xf32>, vector<64x64xf32>, vector<1024x64xf32> -> vector<1024x64xf32>
    %get3A_68 = arith.constant 0 : index
    %get3A_69 = arith.constant 0 : index
    %get3A_70 = vector.load %arg5[%get3A_68, %get3A_69] : memref<1024x64xf32, #tpu.memory_space<vmem>>, vector<1024x64xf32>
    %get3A_71 = arith.constant 0 : index
    %get3A_72 = arith.constant 0 : index
    %get3A_73 = vector.load %arg15[%get3A_71, %get3A_72] : memref<64x64xf32, #tpu.memory_space<vmem>>, vector<64x64xf32>
    %dot_general3A_74 = arith.constant dense<0.000000e+00> : vector<1024x64xf32>
    %dot_general3A_75 = tpu.matmul %get3A_70, %get3A_73, %dot_general3A_74 {dimension_numbers = #tpu.dot_dimension_numbers<[1], [0], [0], [1], [0, 0, 1, 1], [], []>, transpose_lhs_hint = false} : vector<1024x64xf32>, vector<64x64xf32>, vector<1024x64xf32> -> vector<1024x64xf32>
    %add3A_76 = arith.addf %dot_general3A_67, %dot_general3A_75 : vector<1024x64xf32>
    %get3A_77 = arith.constant 0 : index
    %get3A_78 = arith.constant 0 : index
    %get3A_79 = vector.load %arg16[%get3A_77, %get3A_78] : memref<1x64xf32, #tpu.memory_space<vmem>>, vector<1x64xf32>
    %add3A_80 = vector.broadcast %get3A_79 : vector<1x64xf32> to vector<1024x64xf32>
    %add3A_81 = arith.addf %add3A_76, %add3A_80 : vector<1024x64xf32>
    %max3A_82 = arith.constant 0.000000e+00 : f32
    %max3A_83 = vector.broadcast %max3A_82 : f32 to vector<1024x64xf32>
    %max3A_84 = arith.maximumf %add3A_81, %max3A_83 : vector<1024x64xf32>
    %mul3A_85 = arith.mulf %max3A_84, %max3A_84 : vector<1024x64xf32>
    %reduce_sum3A_86 = arith.constant dense<0.000000e+00> : vector<1024xf32>
    %reduce_sum3A_87 = vector.multi_reduction <add>, %mul3A_85, %reduce_sum3A_86 [1] : vector<1024x64xf32> to vector<1024xf32>
    %broadcast_in_dim3A_88 = vector.shape_cast %reduce_sum3A_87 : vector<1024xf32> to vector<1024x1xf32>
    %sqrt3A_89 = math.sqrt %broadcast_in_dim3A_88 : vector<1024x1xf32>
    %eq3A_90 = arith.constant 0.000000e+00 : f32
    %eq3A_91 = vector.broadcast %eq3A_90 : f32 to vector<1024x1xf32>
    %eq3A_92 = arith.cmpf oeq, %sqrt3A_89, %eq3A_91 : vector<1024x1xf32>
    %jit3A_93 = arith.constant 1.000000e+00 : f32
    %broadcast_in_dim3A_94 = vector.broadcast %jit3A_93 : f32 to vector<1024x1xf32>
    %select_n3A_95 = arith.select %eq3A_92, %broadcast_in_dim3A_94, %sqrt3A_89 : vector<1024x1xi1>, vector<1024x1xf32>
    %div3A_96 = vector.broadcast %select_n3A_95 : vector<1024x1xf32> to vector<1024x64xf32>
    %div3A_97 = arith.divf %max3A_84, %div3A_96 : vector<1024x64xf32>
    %get3A_98 = arith.constant 0 : index
    %get3A_99 = arith.constant 0 : index
    %get3A_100 = vector.load %arg17[%get3A_98, %get3A_99] : memref<64x64xf32, #tpu.memory_space<vmem>>, vector<64x64xf32>
    %dot_general3A_101 = arith.constant dense<0.000000e+00> : vector<1024x64xf32>
    %dot_general3A_102 = tpu.matmul %div3A_97, %get3A_100, %dot_general3A_101 {dimension_numbers = #tpu.dot_dimension_numbers<[1], [0], [0], [1], [0, 0, 1, 1], [], []>, transpose_lhs_hint = false} : vector<1024x64xf32>, vector<64x64xf32>, vector<1024x64xf32> -> vector<1024x64xf32>
    %get3A_103 = arith.constant 0 : index
    %get3A_104 = arith.constant 0 : index
    %get3A_105 = vector.load %arg18[%get3A_103, %get3A_104] : memref<1x64xf32, #tpu.memory_space<vmem>>, vector<1x64xf32>
    %add3A_106 = vector.broadcast %get3A_105 : vector<1x64xf32> to vector<1024x64xf32>
    %add3A_107 = arith.addf %dot_general3A_102, %add3A_106 : vector<1024x64xf32>
    %max3A_108 = arith.constant 0.000000e+00 : f32
    %max3A_109 = vector.broadcast %max3A_108 : f32 to vector<1024x64xf32>
    %max3A_110 = arith.maximumf %add3A_107, %max3A_109 : vector<1024x64xf32>
    %get3A_111 = arith.constant 0 : index
    %get3A_112 = arith.constant 0 : index
    %get3A_113 = vector.load %arg19[%get3A_111, %get3A_112] : memref<64x64xf32, #tpu.memory_space<vmem>>, vector<64x64xf32>
    %dot_general3A_114 = arith.constant dense<0.000000e+00> : vector<1024x64xf32>
    %dot_general3A_115 = tpu.matmul %max3A_110, %get3A_113, %dot_general3A_114 {dimension_numbers = #tpu.dot_dimension_numbers<[1], [0], [0], [1], [0, 0, 1, 1], [], []>, transpose_lhs_hint = false} : vector<1024x64xf32>, vector<64x64xf32>, vector<1024x64xf32> -> vector<1024x64xf32>
    %swap3A = arith.constant 0 : index
    %swap3A_116 = arith.constant 0 : index
    %swap3A_117 = vector.load %arg20[%swap3A, %swap3A_116] : memref<1024x64xf32, #tpu.memory_space<vmem>>, vector<1024x64xf32>
    tpu.vector_store %arg20[%swap3A, %swap3A_116], %dot_general3A_115 {strides = array<i32>} : memref<1024x64xf32, #tpu.memory_space<vmem>>, vector<1024x64xf32>,
    return
  }
  func.func @transform_0(%arg0: i32) -> (i32, i32) {
    %c0_i32 = arith.constant 0 : i32
    %c0_i32_0 = arith.constant 0 : i32
    %c0_i32_1 = arith.constant 0 : i32
    return %c0_i32, %c0_i32_0 : i32, i32
  }
  func.func @transform_1(%arg0: i32) -> (i32, i32) {
    %c0_i32 = arith.constant 0 : i32
    %c0_i32_0 = arith.constant 0 : i32
    %c0_i32_1 = arith.constant 0 : i32
    return %c0_i32, %c0_i32_0 : i32, i32
  }
  func.func @transform_2(%arg0: i32) -> (i32, i32, i32) {
    %c0_i32 = arith.constant 0 : i32
    %c0_i32_0 = arith.constant 0 : i32
    %c0_i32_1 = arith.constant 0 : i32
    %c0_i32_2 = arith.constant 0 : i32
    return %c0_i32, %c0_i32_0, %c0_i32_1 : i32, i32, i32
  }
  func.func @transform_3(%arg0: i32) -> (i32, i32) {
    %c0_i32 = arith.constant 0 : i32
    %c0_i32_0 = arith.constant 0 : i32
    %c0_i32_1 = arith.constant 0 : i32
    return %c0_i32, %c0_i32_0 : i32, i32
  }
  func.func @transform_4(%arg0: i32) -> (i32, i32) {
    %c0_i32 = arith.constant 0 : i32
    %c0_i32_0 = arith.constant 0 : i32
    %c0_i32_1 = arith.constant 0 : i32
    return %c0_i32, %c0_i32_0 : i32, i32
  }
  func.func @transform_5(%arg0: i32) -> (i32, i32) {
    %c0_i32 = arith.constant 0 : i32
    %c0_i32_0 = arith.constant 0 : i32
    %c0_i32_1 = arith.constant 0 : i32
    return %c0_i32, %c0_i32_0 : i32, i32
  }
  func.func @transform_6(%arg0: i32) -> (i32, i32) {
    %c0_i32 = arith.constant 0 : i32
    %c0_i32_0 = arith.constant 0 : i32
    %c0_i32_1 = arith.constant 0 : i32
    return %c0_i32, %c0_i32_0 : i32, i32
  }
  func.func @transform_7(%arg0: i32) -> (i32, i32) {
    %c0_i32 = arith.constant 0 : i32
    %c0_i32_0 = arith.constant 0 : i32
    %c0_i32_1 = arith.constant 0 : i32
    return %c0_i32, %c0_i32_0 : i32, i32
  }
  func.func @transform_8(%arg0: i32) -> (i32, i32) {
    %c0_i32 = arith.constant 0 : i32
    %c0_i32_0 = arith.constant 0 : i32
    %c0_i32_1 = arith.constant 0 : i32
    return %c0_i32, %c0_i32_0 : i32, i32
  }
  func.func @transform_9(%arg0: i32) -> (i32, i32) {
    %c0_i32 = arith.constant 0 : i32
    %c0_i32_0 = arith.constant 0 : i32
    %c0_i32_1 = arith.constant 0 : i32
    return %c0_i32, %c0_i32_0 : i32, i32
  }
  func.func @transform_10(%arg0: i32) -> (i32, i32) {
    %c0_i32 = arith.constant 0 : i32
    %c0_i32_0 = arith.constant 0 : i32
    %c0_i32_1 = arith.constant 0 : i32
    return %c0_i32, %c0_i32_0 : i32, i32
  }
  func.func @transform_11(%arg0: i32) -> (i32, i32) {
    %c0_i32 = arith.constant 0 : i32
    %c0_i32_0 = arith.constant 0 : i32
    %c0_i32_1 = arith.constant 0 : i32
    return %c0_i32, %c0_i32_0 : i32, i32
  }
  func.func @transform_12(%arg0: i32) -> (i32, i32) {
    %c0_i32 = arith.constant 0 : i32
    %c0_i32_0 = arith.constant 0 : i32
    %c0_i32_1 = arith.constant 0 : i32
    return %c0_i32, %c0_i32_0 : i32, i32
  }
  func.func @transform_13(%arg0: i32) -> (i32, i32) {
    %c0_i32 = arith.constant 0 : i32
    %c0_i32_0 = arith.constant 0 : i32
    %c0_i32_1 = arith.constant 0 : i32
    return %c0_i32, %c0_i32_0 : i32, i32
  }
  func.func @transform_14(%arg0: i32) -> (i32, i32) {
    %c0_i32 = arith.constant 0 : i32
    %c0_i32_0 = arith.constant 0 : i32
    %c0_i32_1 = arith.constant 0 : i32
    return %c0_i32, %c0_i32_0 : i32, i32
  }
  func.func @transform_15(%arg0: i32) -> (i32, i32) {
    %c0_i32 = arith.constant 0 : i32
    %c0_i32_0 = arith.constant 0 : i32
    %c0_i32_1 = arith.constant 0 : i32
    return %c0_i32, %c0_i32_0 : i32, i32
  }
  func.func @transform_16(%arg0: i32) -> (i32, i32) {
    %c0_i32 = arith.constant 0 : i32
    %c0_i32_0 = arith.constant 0 : i32
    %c0_i32_1 = arith.constant 0 : i32
    return %c0_i32, %c0_i32_0 : i32, i32
  }
  func.func @transform_17(%arg0: i32) -> (i32, i32) {
    %c0_i32 = arith.constant 0 : i32
    %c0_i32_0 = arith.constant 0 : i32
    %c0_i32_1 = arith.constant 0 : i32
    return %c0_i32, %c0_i32_0 : i32, i32
  }
  func.func @transform_18(%arg0: i32) -> (i32, i32) {
    %c0_i32 = arith.constant 0 : i32
    %c0_i32_0 = arith.constant 0 : i32
    %c0_i32_1 = arith.constant 0 : i32
    return %c0_i32, %c0_i32_0 : i32, i32
  }
  func.func @transform_19(%arg0: i32) -> (i32, i32) {
    %c0_i32 = arith.constant 0 : i32
    %c0_i32_0 = arith.constant 0 : i32
    %c0_i32_1 = arith.constant 0 : i32
    return %c0_i32, %c0_i32_0 : i32, i32
  }
}

</mosaic_0001>

<sc_bundles>
// kernel: kernel.6.cloned.1.call-start
scs
__scs_entry_jumppad:
0x0: {  	(pc) =	sbr.rel $0x88, $3  }
0x1: {  	(tag) =	ssettag $0x0;
	lr =	simm.s32 $0x1  }
0x2: {  	[smem:$0x3F86] =	sst lr;
	_ =	strace $0xD0000000  }
0x3: {  	_ = 	snop  }
0x4: {  	_ = 	snop  }
0x5: {  	_ = 	snop  }
0x6: {  	_ = 	snop  }
0x7: {  	_ = 	snop  }
__scs_overlays_trampoline_lowered:
0x8: {  	[smem:$0x3F95] =	sst s0  }
0x9: {  	[smem:$0x3F96] =	sst s1  }
0xa: {  	[smem:$0x3F97] =	sst s2  }
0xb: {  	[smem:$0x3F98] =	sst s3  }
0xc: {  	[smem:$0x3F99] =	sst s4  }
0xd: {  	[smem:$0x3F9A] =	sst s5  }
0xe: {  	[smem:$0x3F9B] =	sst s6  }
0xf: {  	[smem:$0x3F9C] =	sst s7  }
0x10: {  	[smem:$0x3F9D] =	sst s8  }
0x11: {  	[smem:$0x3F9E] =	sst s9;
	s0 =	simm.s32 @!p0 $0x0  }
0x12: {  	s1 =	sld [smem:$0x3F84];
	s0 =	simm.s32 @p0 $0x1  }
0x13: {  	[smem:$0x3F9F] =	sst s0;
	s0 =	simm.s32 @!p1 $0x0  }
0x14: {  	s2 =	sld [smem:$0x3F83];
	s0 =	simm.s32 @p1 $0x1  }
0x15: {  	[smem:$0x3FA0] =	sst s0;
	s0 =	simm.s32 @!p2 $0x0  }
0x16: {  	s3 =	sld [smem:$0x3FDB];
	s0 =	simm.s32 @p2 $0x1  }
0x17: {  	s4 =	simm.s32 $0x1BF5;
	[smem:$0x3FA2] =	sst s0  }
0x18: {  	s0 =	sld [smem:$0x3F85];
	_ =	swait.ge [sflag:s4], $0x0  }
0x19: {  	s7 =	sld [smem:$0x3F86]  }
0x1a: {  	s8 =	sadd.s32 $0xFFFFE003, lr  }
0x1b: {  	s9 =	sadd.s32 $0xFFFFFEF7, lr;
	s5 =	simm.s32 $0xFFFFFFFF;
	p2 =	slt.u32 s8, $0xFFFFF086  }
0x1c: {  	p1 =	slt.u32 s9, $0xF7A;
	s5 =	simm.s32 @!p2 $0x0  }
0x1d: {  	s5 =	simm.s32 @p1 $0x1;
	p0 =	seq.s32 s7, s2  }
0x1e: {  	s7 =	smul.u32 @!p0 $0xF7A, s2;
	p2 =	seq.s32 @!p0 s5, $0x0  }
0x1f: {  	s9 =	smul.u32 $0xF7A, s1;
	s8 =	simm.s32 @!p0 $0x1BF5;
	p2 =	por !p2, p0  }
0x20: {  	[sflag:s8] =	ssyncset.s32 @!p0 $0xFFFFF086;
	s6 =	sadd.s32 @!p0 s3, s7;
	s7 =	simm.s32 @!p0 $0x108  }
0x21: {  	s3 =	sadd.s32 s3, s9;
	s6 =	sadd.s32 @!p0 $0x88, s6;
	s7 =	simm.s32 @p2 $0x1082  }
0x22: {  	[simem:s7], [sflag:s8] =	dma.local @!p0 [hbm:s6], $0xF7A  }
0x23: {  	s9 =	sor.u32 $0xD0000000, s2;
	s6 =	simm.s32 $0x108;
	_ =	swait.ge @!p0 [sflag:s8], $0x0  }
0x24: {  	s3 =	sadd.s32 $0x88, s3;
	s6 =	simm.s32 @!p1 $0x1082;
	[sflag:s4] =	ssyncset.s32 $0xFFFFF086  }
0x25: {  	[simem:s6], [sflag:s4] =	dma.local [hbm:s3], $0xF7A  }
0x26: {  	[smem:$0x3F86] =	sst s1;
	(tag) =	ssettag s2;
	_ =	strace s9  }
0x27: {  	s1 =	sld [smem:$0x3F96]  }
0x28: {  	s2 =	sld [smem:$0x3F97]  }
0x29: {  	s4 =	sld [smem:$0x3F99]  }
0x2a: {  	p0 =	seq.s32 s5, $0x0;
	s5 =	sld [smem:$0x3F9A]  }
0x2b: {  	s6 =	sld [smem:$0x3F9B]  }
0x2c: {  	s7 =	sld [smem:$0x3F9C]  }
0x2d: {  	s3 =	simm.s32 $0x108;
	s8 =	sld [smem:$0x3F9D]  }
0x2e: {  	s3 =	simm.s32 @!p0 $0x1082;
	s9 =	sld [smem:$0x3F9E]  }
0x2f: {  	lr =	sadd.s32 s0, s3;
	s0 =	sld [smem:$0x3F95]  }
0x30: {  	s3 =	sld [smem:$0x3F98]  }
0x31: {  	[smem:$0x3FA1] =	sst s10  }
0x32: {  	s10 =	sld [smem:$0x3F9F];
	_ =	sdelay $0x3  }
0x33: {  	p0 =	seq.s32 s10, $0x1;
	s10 =	sld [smem:$0x3FA1];
	_ =	sdelay $0x3  }
0x34: {  	[smem:$0x3FA1] =	sst s10  }
0x35: {  	s10 =	sld [smem:$0x3FA0];
	_ =	sdelay $0x3  }
0x36: {  	p1 =	seq.s32 s10, $0x1;
	s10 =	sld [smem:$0x3FA1];
	_ =	sdelay $0x3  }
0x37: {  	[smem:$0x3FA1] =	sst s10  }
0x38: {  	s10 =	sld [smem:$0x3FA2]  }
0x39: {  	_ = 	snop;
	(pc) =	sbr.ind lr, $3  }
0x3a: {  	_ = 	snop  }
0x3b: {  	_ = 	snop  }
0x3c: {  	p2 =	seq.s32 s10, $0x1;
	s10 =	sld [smem:$0x3FA1]  }
0x3d: {  	_ =	shalt  }
0x3e: {  	_ =	shalt  }
0x3f: {  	_ =	shalt  }
0x40: {  	_ =	shalt  }
0x41: {  	_ =	shalt  }
0x42: {  	_ =	shalt  }
0x43: {  	_ =	shalt  }
0x44: {  	_ =	shalt  }
0x45: {  	_ =	shalt  }
0x46: {  	_ =	shalt  }
0x47: {  	_ =	shalt  }
0x48: {  	_ =	shalt  }
0x49: {  	_ =	shalt  }
0x4a: {  	_ =	shalt  }
0x4b: {  	_ =	shalt  }
0x4c: {  	_ =	shalt  }
0x4d: {  	_ =	shalt  }
0x4e: {  	_ =	shalt  }
0x4f: {  	_ =	shalt  }
0x50: {  	_ =	shalt  }
0x51: {  	_ =	shalt  }
0x52: {  	_ =	shalt  }
0x53: {  	_ =	shalt  }
0x54: {  	_ =	shalt  }
0x55: {  	_ =	shalt  }
0x56: {  	_ =	shalt  }
0x57: {  	_ =	shalt  }
0x58: {  	_ =	shalt  }
0x59: {  	_ =	shalt  }
0x5a: {  	_ =	shalt  }
0x5b: {  	_ =	shalt  }
0x5c: {  	_ =	shalt  }
0x5d: {  	_ =	shalt  }
0x5e: {  	_ =	shalt  }
0x5f: {  	_ =	shalt  }
0x60: {  	_ =	shalt  }
0x61: {  	_ =	shalt  }
0x62: {  	_ =	shalt  }
0x63: {  	_ =	shalt  }
0x64: {  	_ =	shalt  }
0x65: {  	_ =	shalt  }
0x66: {  	_ =	shalt  }
0x67: {  	_ =	shalt  }
0x68: {  	_ =	shalt  }
0x69: {  	_ =	shalt  }
0x6a: {  	_ =	shalt  }
0x6b: {  	_ =	shalt  }
0x6c: {  	_ =	shalt  }
0x6d: {  	_ =	shalt  }
0x6e: {  	_ =	shalt  }
0x6f: {  	_ =	shalt  }
0x70: {  	_ =	shalt  }
0x71: {  	_ =	shalt  }
0x72: {  	_ =	shalt  }
0x73: {  	_ =	shalt  }
0x74: {  	_ =	shalt  }
0x75: {  	_ =	shalt  }
0x76: {  	_ =	shalt  }
0x77: {  	_ =	shalt  }
0x78: {  	_ =	shalt  }
0x79: {  	_ =	shalt  }
0x7a: {  	_ =	shalt  }
0x7b: {  	_ =	shalt  }
0x7c: {  	_ =	shalt  }
0x7d: {  	_ =	shalt  }
0x7e: {  	_ =	shalt  }
0x7f: {  	_ =	shalt  }
0x80: {  	_ =	shalt  }
0x81: {  	_ =	shalt  }
0x82: {  	_ =	shalt  }
0x83: {  	_ =	shalt  }
0x84: {  	_ =	shalt  }
0x85: {  	_ =	shalt  }
0x86: {  	_ =	shalt  }
0x87: {  	_ =	shalt  }
.Lfunc_end0:
.L_simem_size_0:
called_computation_lowered:
.L_overlay_start_0:
0x88: {  	s2 =	sld [smem:$0x3FD9]  }
0x89: {  	s3 =	sld [smem:$0x3FFE];
	_ =	sdelay $0x1  }
0x8a: {  	s1 =	srdreg.scid  }
0x8b: {  	s0 =	sand.u32 $0x1, s1  }
0x8c: {  	s17 =	sshll.u32 s0, $0xA;
	s2 =	sadd.s32 s3, s2  }
0x8d: {  	s2 =	sadd.s32 s2, s17  }
0x8e: {  	[smem:$0x3FAD] =	sst s2  }
0x8f: {  	_ = 	snop  }
0x90: {  	s2 =	sld [smem:$0x3FC3]  }
0x91: {  	s18 =	sld [smem:$0x3FD0];
	(tm) =	ssettm $0x1  }
0x92: {  	s4 =	sld [smem:$0x3FFB];
	_ =	sdelay $0x3  }
0x93: {  	_ =	strace s4  }
0x94: {  	s4 =	sld [smem:$0x3FFC];
	_ =	sdelay $0x3  }
0x95: {  	_ =	strace s4  }
0x96: {  	s4 =	sld [smem:$0x3FFD];
	_ =	sdelay $0x3  }
0x97: {  	_ =	strace s4  }
0x98: {  	_ =	strace $0x8FFFFFFF  }
0x99: {  	s19 =	sld [smem:$0x3FDB];
	_ =	sdelay $0x1  }
0x9a: {  	s5 =	simm.s32 $_scs_section_size  }
0x9b: {  	s6 =	simm.s32 $_size__tile_overlayer_lowered;
	s7 =	simm.s32 $_tile_overlayer_lowered  }
0x9c: {  	s22 =	simm.s32 $0x1BFF;
	s21 =	sshll.u32 s7, $0x1;
	s4 =	sadd.s32 s5, s19  }
0x9d: {  	s8 =	simm.s32 $0x0;
	s20 =	sshll.u32 s6, $0x1;
	s6 =	sadd.s32 s21, s4  }
0x9e: {  	[timem:s8], [sflag:s22] =	dma.local [hbm:s6], s20  }
0x9f: {  	_ =	swait.ge [sflag:s22], s20  }
0xa0: {  	s5 =	ssub.s32 $0x0, s20;
	[sflag:s22] =	ssyncset.done $0x0  }
0xa1: {  	[sflag:s22] =	ssyncadd.s32 s5;
	_ =	sdelay $0x1  }
0xa2: {  	s23 =	simm.s32 $0x1B8B  }
0xa3: {  	_ =	swait.ge [sflag:s23], $0x1  }
0xa4: {  	[sflag:s23] =	ssyncset.done $0x0  }
0xa5: {  	s25 =	simm.s32 $0x1B8E;
	s24 =	sld [smem:$0x3FFE];
	[sflag:s23] =	ssyncadd.s32 $0xFFFFFFFF  }
0xa6: {  	s26 =	simm.s32 $execute0_lowered;
	[smem:$0x3FD2] =	sst s25  }
0xa7: {  	s6 =	sshll.u32 s26, $0x1;
	_ =	strace $0x80000046;
	[dreg:$0x1] =	wrdreg $0xFFFFFFFF  }
0xa8: {  	s28 =	simm.s32 $_size_execute0_lowered;
	s4 =	sadd.s32 s4, s6;
	[dreg:$0x0] =	wrdreg $0x0  }
0xa9: {  	s6 =	sshll.u32 s28, $0x1;
	[dreg:$0x2] =	wrdreg s4  }
0xaa: {  	[dreg:$0x3] =	wrdreg s6  }
0xab: {  	[dreg:$0x4] =	wrdreg $0xC0  }
0xac: {  	_ =	task [dreg:s8], $0x5FFFF  }
0xad: {  	[dreg:$0x1] =	wrdreg $0xFFFFFFFF  }
0xae: {  	[dreg:$0x0] =	wrdreg $0x60  }
0xaf: {  	[dreg:$0x2] =	wrdreg s24  }
0xb0: {  	[dreg:$0x3] =	wrdreg s2  }
0xb1: {  	[dreg:$0x4] =	wrdreg s18  }
0xb2: {  	[dreg:$0x5] =	wrdreg $0x9  }
0xb3: {  	_ =	task.clear_ibuf [dreg:s8], $0x6FFFF;
	_ =	strace $0x90000046  }
0xb4: {  	s29 =	simm.s32 $0x9;
	_ =	strace $0x80000048  }
0xb5: {  	_ =	swait.ge [sflag:s29], $0x1  }
0xb6: {  	[sflag:s29] =	ssyncadd.s32 $0xFFFFFFFF  }
0xb7: {  	_ =	strace $0x90000048  }
0xb8: {  	_ =	sfence  }
0xb9: {  	s30 =	sld [smem:$0x0];
	_ =	sdelay $0x2  }
0xba: {  	s31 =	sshll.u32 s1, $0xD;
	s1 =	sshrl.u32 s1, $0x2  }
0xbb: {  	s3 =	sand.u32 $0x4000, s31;
	s1 =	sadd.s32 s1, s30  }
0xbc: {  	s0 =	sor.u32 s3, s0;
	s1 =	sshll.u32 s1, $0x11  }
0xbd: {  	s0 =	sor.u32 s1, s0  }
0xbe: {  	s0 =	sadd.s32 $0x8F2B, s0  }
0xbf: {  	[sflag:s0] =	ssyncadd.remote.s32 $0x1  }
0xc0: {  	_ =	sfence.sel $0xFFFF  }
0xc1: {  	[dreg:$0x0] =	wrdreg $0xFFFFFFFF;
	(pc) =	sbr.abs _section_cstart, $3  }
0xc2: {  	[dreg:$0x1] =	wrdreg $0xFFFFFFFF  }
0xc3: {  	_ =	task.clear_ibuf [dreg:s8], $0x2FFFF;
	_ =	strace $0x9FFFFFFF  }
0xc4: {  	(tm) =	ssettm $0x7FFFFFFF  }
0xc5: {  	_ =	shalt  }
tec
execute0_lowered:
.L_overlay_start_1:
0x0: {  	(tag) =	ssettag $0x1  }
0x1: {  	s1 =	srdreg.scid;
	s22 =	stileid.u32  }
0x2: {  	s1 =	sand.u32 $0x1, s1;
	s2 =	sshll.u32 s22, $0x1  }
0x3: {  	s6 =	sor.u32 s1, s2;
	s26 =	smul.u32 $0x64000, s1  }
0x4: {  	s3 =	smul.u32 $0x320, s6  }
0x5: {  	s7 =	smul.u32 $0x30, s6  }
0x6: {  	s0 =	rddreg [dreg:$0x0];
	s8 =	smul.u32 $0x64000, s6  }
0x7: {  	s4 =	rddreg [dreg:$0x1];
	s9 =	smul.u32 $0x190, s6  }
0x8: {  	s5 =	rddreg [dreg:$0x2];
	s12 =	smul.u32 $0x32000, s6  }
0x9: {  	s13 =	sadd.s32 $0x313E00, s0;
	s15 =	sadd.s32 $0xF5600, s0;
	s14 =	smul.u32 $0x50, s6  }
0xa: {  	s18 =	sadd.s32 $0xD5600, s0;
	s2 =	simm.s32 $0x0;
	s17 =	smul.u32 $0xA000, s6  }
0xb: {  	s16 =	ssub.s32 $0x2, s1;
	[smem:$0x7FF] =	sst s2;
	s20 =	smul.u32 $0xC00, s6  }
0xc: {  	s11 =	sshll.u32 s6, $0x4;
	s19 =	sshrl.u32 s16, $0x1;
	s23 =	smul.u32 $0x6000, s6  }
0xd: {  	s21 =	sshll.u32 s6, $0xA;
	s25 =	smul.u32 $0xC800, s6;
	_ =	strace $0x80000047  }
0xe: {  	s11 =	sadd.s32 s11, s0;
	s19 =	ssub.s32 s16, s19;
	s16 =	smul.u32 $0x64000, s22  }
0xf: {  	s21 =	sadd.s32 s21, s0;
	s10 =	sadd.s32 s3, s0;
	s7 =	sadd.s32 s7, s0  }
0x10: {  	s3 =	sadd.s32 $0x250800, s0;
	s4 =	sadd.s32 s4, s9;
	s24 =	sshrl.u32 s17, $0x3  }
0x11: {  	s5 =	sadd.s32 s5, s14;
	s14 =	smul.u32 $0x1400, s6;
	s20 =	sadd.s32 s18, s20  }
0x12: {  	s23 =	sshrl.u32 s23, $0x3;
	s8 =	sshrl.u32 s8, $0x3;
	s25 =	sadd.s32 s25, s13  }
0x13: {  	s9 =	smul.u32 $0x19000, s22;
	s12 =	sshrl.u32 s12, $0x3;
	[dreg:$0x4] =	wrdreg s4  }
0x14: {  	s6 =	smul.u32 $0x6400, s6;
	s19 =	smax.u32 s19, $0x1;
	[dreg:$0x5] =	wrdreg s5  }
0x15: {  	s17 =	sadd.s32 s15, s24;
	[dreg:$0x6] =	wrdreg s20;
	s24 =	smul.u32 $0xC8000, s22  }
0x16: {  	s5 =	sadd.s32 s18, s23;
	s20 =	sadd.s32 s13, s8;
	s18 =	smul.u32 $0x32000, s1  }
0x17: {  	s10 =	sadd.s32 $0x6800, s10;
	s7 =	sadd.s32 $0xCE00, s7;
	s23 =	sadd.s32 $0xD400, s11  }
0x18: {  	s25 =	sadd.s32 $0xC400, s25;
	s4 =	sadd.s32 s15, s14;
	s15 =	smul.u32 $0xC800, s1  }
0x19: {  	s8 =	sadd.s32 s9, s13;
	s9 =	sadd.s32 $0x18D200, s0;
	[dreg:$0x7] =	wrdreg s10  }
0x1a: {  	s0 =	sadd.s32 $0xD600, s0;
	s1 =	smul.u32 $0x6400, s1;
	[dreg:$0x8] =	wrdreg s7  }
0x1b: {  	[dreg:$0xc] =	wrdreg s23;
	s20 =	sadd.s32 $0xC000, s20;
	s30 =	sadd.s32 $0x1000, s17  }
0x1c: {  	s31 =	sadd.s32 $0x800, s17;
	s7 =	simm.s32 $0x1;
	s14 =	sadd.s32 s26, s24  }
0x1d: {  	s26 =	smul.u32 $0xC800, s22;
	s10 =	sadd.s32 s0, s12;
	s22 =	sadd.s32 $0xCC00, s11  }
0x1e: {  	s24 =	sadd.s32 $0x11D600, s21;
	s23 =	sadd.s32 $0x400, s4;
	s11 =	simm.s32 $0x0  }
0x1f: {  	s14 =	sshrl.u32 s14, $0x3;
	s28 =	sadd.s32 s15, s8;
	[dreg:$0xb] =	wrdreg s22  }
0x20: {  	[dreg:$0xd] =	wrdreg s24;
	s22 =	sadd.s32 $0x5800, s10;
	s24 =	sadd.s32 $0xC00, s4  }
0x21: {  	s4 =	simm.s32 $0x1900;
	s8 =	sadd.s32 s14, s13;
	s13 =	sadd.s32 s18, s16  }
0x22: {  	s12 =	sadd.s32 s26, s0;
	s14 =	sadd.s32 $0x400, s5;
	s5 =	sadd.s32 $0x800, s5  }
0x23: {  	s16 =	sadd.s32 s6, s0;
	s26 =	sadd.s32 $0xED600, s21;
	s21 =	sadd.s32 $0x6000, s10  }
0x24: {  	s28 =	sadd.s32 $0x400, s28;
	s18 =	smov.u32 s17;
	[dreg:$0x9] =	wrdreg s14  }
0x25: {  	s6 =	simm.s32 $0x2;
	s10 =	simm.s32 $0x100;
	[dreg:$0xa] =	wrdreg s5  }
0x26: {  	s1 =	sadd.s32 s1, s12;
	s15 =	sshrl.u32 s13, $0x3;
	[dreg:$0xe] =	wrdreg s26  }
0x27: {  	s26 =	sadd.s32 $0x5C00, s16;
	s5 =	simm.s32 $0x3900;
	s14 =	sadd.s32 s15, s0  }
0x28: {  	s29 =	sadd.s32 $0x400, s1;
	s1 =	simm.s32 $0x3;
	s0 =	simm.s32 $0x80  }
.LBB2_1:
0x29: {  	s12 =	rddreg [dreg:$0x7]  }
0x2a: {  	[tilespmem:s2], [sflag:$0x3] =	stream.linear.gather [hbm4b:s12+s2], $0x1900, $0x38;
	[tilespmem:$0x5900] =	vst v63  }
0x2b: {  	_ =	swait.ge [sflag:s1], $0x1900  }
0x2c: {  	[sflag:s1] =	ssyncset.done $0x0  }
0x2d: {  	[sflag:s1] =	ssyncadd.s32 $0xFFFFE700  }
0x2e: {  	[tilespmem:s4], [sflag:$0x1] =	stream.indirect.gather [hbm4b:s3+s0], $0x40, s2, s0, $0xb8;
	[tilespmem:$0x5900] =	vst v63  }
0x2f: {  	_ = 	snop  }
0x30: {  	[tilespmem:s5], [sflag:$0x2] =	stream.indirect.gather [hbm4b:s3+s0], $0x40, s0, s0, $0xb8;
	[tilespmem:$0x5900] =	vst v63  }
0x31: {  	_ =	swait.ge [sflag:s7], $0x2000  }
0x32: {  	[sflag:s7] =	ssyncset.done $0x0  }
0x33: {  	s15 =	sadd.s32 $0x0, s8;
	[sflag:s7] =	ssyncadd.s32 $0xFFFFE000  }
0x34: {  	[hbm4b:s15+s2] =	stream.linear.scatter [tilespmem:s4], [sflag:$0x3], $0x2000, $0x38;
	[tilespmem:$0x5900] =	vst v63  }
0x35: {  	_ =	swait.ge [sflag:s1], $0x2000  }
0x36: {  	[sflag:s1] =	ssyncset.done $0x0  }
0x37: {  	s16 =	simm.s32 $0x100;
	[sflag:s1] =	ssyncadd.s32 $0xFFFFE000  }
0x38: {  	[tilespmem:s4], [sflag:$0x1] =	stream.indirect.gather [hbm4b:s3+s0], $0x40, s16, s0, $0xb8;
	[tilespmem:$0x5900] =	vst v63  }
0x39: {  	_ =	swait.ge [sflag:s6], $0x2000  }
0x3a: {  	[sflag:s6] =	ssyncset.done $0x0  }
0x3b: {  	s17 =	sadd.s32 $0x0, s28;
	[sflag:s6] =	ssyncadd.s32 $0xFFFFE000  }
0x3c: {  	[hbm4b:s17+s2] =	stream.linear.scatter [tilespmem:s5], [sflag:$0x3], $0x2000, $0x38;
	[tilespmem:$0x5900] =	vst v63  }
0x3d: {  	_ =	swait.ge [sflag:s1], $0x2000  }
0x3e: {  	s13 =	simm.s32 $0x280;
	[sflag:s1] =	ssyncset.done $0x0  }
0x3f: {  	s12 =	simm.s32 $0x800;
	s15 =	simm.s32 $0x180;
	[sflag:s1] =	ssyncadd.s32 $0xFFFFE000  }
.LBB2_2:
0x40: {  	[tilespmem:s5], [sflag:$0x2] =	stream.indirect.gather [hbm4b:s3+s0], $0x40, s15, s0, $0xb8;
	[tilespmem:$0x5900] =	vst v63  }
0x41: {  	s16 =	smov.u32 s12;
	s15 =	smov.u32 s13  }
0x42: {  	p0 =	sne.s32 s12, $0xB800;
	s12 =	sadd.s32 $0x800, s12;
	_ =	swait.ge [sflag:s7], $0x2000  }
0x43: {  	[sflag:s7] =	ssyncset.done $0x0  }
0x44: {  	s17 =	sadd.s32 s16, s8;
	[sflag:s7] =	ssyncadd.s32 $0xFFFFE000  }
0x45: {  	[hbm4b:s17+s2] =	stream.linear.scatter [tilespmem:s4], [sflag:$0x3], $0x2000, $0x38;
	[tilespmem:$0x5900] =	vst v63  }
0x46: {  	_ =	swait.ge [sflag:s1], $0x2000  }
0x47: {  	[sflag:s1] =	ssyncset.done $0x0  }
0x48: {  	s17 =	sadd.s32 $0xFFFFFF80, s13;
	[sflag:s1] =	ssyncadd.s32 $0xFFFFE000  }
0x49: {  	[tilespmem:s4], [sflag:$0x1] =	stream.indirect.gather [hbm4b:s3+s0], $0x40, s17, s0, $0xb8;
	[tilespmem:$0x5900] =	vst v63  }
0x4a: {  	_ =	swait.ge [sflag:s6], $0x2000  }
0x4b: {  	[sflag:s6] =	ssyncset.done $0x0  }
.Ltmp0:
0x4c: {  	s16 =	sadd.s32 s16, s28;
	[sflag:s6] =	ssyncadd.s32 $0xFFFFE000;
	(pc) =	sbr.rel @p0 .LBB2_2-.Ltmp0, $4  }
0x4d: {  	[hbm4b:s16+s2] =	stream.linear.scatter [tilespmem:s5], [sflag:$0x3], $0x2000, $0x38;
	[tilespmem:$0x5900] =	vst v63  }
0x4e: {  	_ =	swait.ge [sflag:s1], $0x2000  }
0x4f: {  	[sflag:s1] =	ssyncset.done $0x0  }
0x50: {  	s13 =	sadd.s32 $0x100, s13;
	[sflag:s1] =	ssyncadd.s32 $0xFFFFE000  }
0x51: {  	[tilespmem:s5], [sflag:$0x2] =	stream.indirect.gather [hbm4b:s3+s0], $0x40, s15, s0, $0xb8;
	[tilespmem:$0x5900] =	vst v63  }
0x52: {  	_ =	swait.ge [sflag:s7], $0x2000  }
0x53: {  	[sflag:s7] =	ssyncset.done $0x0  }
0x54: {  	s12 =	simm.s32 $0x0;
	[sflag:s7] =	ssyncadd.s32 $0xFFFFE000  }
0x55: {  	[hbm4b:s20+s12] =	stream.linear.scatter [tilespmem:s4], [sflag:$0x3], $0x2000, $0x38;
	[tilespmem:$0x5900] =	vst v63  }
0x56: {  	_ =	swait.ge [sflag:s1], $0x2000  }
0x57: {  	[sflag:s1] =	ssyncset.done $0x0  }
0x58: {  	[sflag:s1] =	ssyncadd.s32 $0xFFFFE000  }
0x59: {  	_ =	swait.ge [sflag:s6], $0x2000  }
0x5a: {  	[sflag:s6] =	ssyncset.done $0x0  }
0x5b: {  	[sflag:s6] =	ssyncadd.s32 $0xFFFFE000  }
0x5c: {  	[hbm4b:s25+s12] =	stream.linear.scatter [tilespmem:s5], [sflag:$0x3], $0x2000, $0x38;
	[tilespmem:$0x5900] =	vst v63  }
0x5d: {  	_ =	swait.ge [sflag:s1], $0x2000  }
0x5e: {  	[sflag:s1] =	ssyncset.done $0x0  }
0x5f: {  	s13 =	rddreg [dreg:$0x4];
	[sflag:s1] =	ssyncadd.s32 $0xFFFFE000  }
0x60: {  	[tilespmem:s12], [sflag:$0x3] =	stream.linear.gather [hbm4b:s13+s12], $0xC80, $0x38;
	[tilespmem:$0x5900] =	vst v63  }
0x61: {  	_ =	swait.ge [sflag:s1], $0xC80  }
0x62: {  	[sflag:s1] =	ssyncset.done $0x0  }
0x63: {  	[sflag:s1] =	ssyncadd.s32 $0xFFFFF380  }
0x64: {  	[tilespmem:s4], [sflag:$0x1] =	stream.indirect.gather [hbm4b:s9+s0], $0x40, s12, s0, $0xb8;
	[tilespmem:$0x5900] =	vst v63  }
0x65: {  	_ = 	snop  }
0x66: {  	[tilespmem:s5], [sflag:$0x2] =	stream.indirect.gather [hbm4b:s9+s0], $0x40, s0, s0, $0xb8;
	[tilespmem:$0x5900] =	vst v63  }
0x67: {  	_ =	swait.ge [sflag:s7], $0x2000  }
0x68: {  	[sflag:s7] =	ssyncset.done $0x0  }
0x69: {  	s15 =	sadd.s32 $0x0, s14;
	[sflag:s7] =	ssyncadd.s32 $0xFFFFE000  }
0x6a: {  	[hbm4b:s15+s2] =	stream.linear.scatter [tilespmem:s4], [sflag:$0x3], $0x2000, $0x38;
	[tilespmem:$0x5900] =	vst v63  }
0x6b: {  	_ =	swait.ge [sflag:s1], $0x2000  }
0x6c: {  	[sflag:s1] =	ssyncset.done $0x0  }
0x6d: {  	s16 =	simm.s32 $0x100;
	[sflag:s1] =	ssyncadd.s32 $0xFFFFE000  }
0x6e: {  	[tilespmem:s4], [sflag:$0x1] =	stream.indirect.gather [hbm4b:s9+s0], $0x40, s16, s0, $0xb8;
	[tilespmem:$0x5900] =	vst v63  }
0x6f: {  	_ =	swait.ge [sflag:s6], $0x2000  }
0x70: {  	[sflag:s6] =	ssyncset.done $0x0  }
0x71: {  	s17 =	sadd.s32 $0x0, s29;
	[sflag:s6] =	ssyncadd.s32 $0xFFFFE000  }
0x72: {  	[hbm4b:s17+s2] =	stream.linear.scatter [tilespmem:s5], [sflag:$0x3], $0x2000, $0x38;
	[tilespmem:$0x5900] =	vst v63  }
0x73: {  	_ =	swait.ge [sflag:s1], $0x2000  }
0x74: {  	s13 =	simm.s32 $0x800;
	[sflag:s1] =	ssyncset.done $0x0  }
0x75: {  	s12 =	simm.s32 $0x180;
	s15 =	simm.s32 $0x280;
	[sflag:s1] =	ssyncadd.s32 $0xFFFFE000  }
.LBB2_4:
0x76: {  	[tilespmem:s5], [sflag:$0x2] =	stream.indirect.gather [hbm4b:s9+s0], $0x40, s12, s0, $0xb8;
	[tilespmem:$0x5900] =	vst v63  }
0x77: {  	s16 =	smov.u32 s13;
	s12 =	smov.u32 s15  }
0x78: {  	p0 =	sne.s32 s13, $0x5000;
	s13 =	sadd.s32 $0x800, s13;
	_ =	swait.ge [sflag:s7], $0x2000  }
0x79: {  	[sflag:s7] =	ssyncset.done $0x0  }
0x7a: {  	s17 =	sadd.s32 s16, s14;
	[sflag:s7] =	ssyncadd.s32 $0xFFFFE000  }
0x7b: {  	[hbm4b:s17+s2] =	stream.linear.scatter [tilespmem:s4], [sflag:$0x3], $0x2000, $0x38;
	[tilespmem:$0x5900] =	vst v63  }
0x7c: {  	_ =	swait.ge [sflag:s1], $0x2000  }
0x7d: {  	[sflag:s1] =	ssyncset.done $0x0  }
0x7e: {  	s17 =	sadd.s32 $0xFFFFFF80, s15;
	[sflag:s1] =	ssyncadd.s32 $0xFFFFE000  }
0x7f: {  	[tilespmem:s4], [sflag:$0x1] =	stream.indirect.gather [hbm4b:s9+s0], $0x40, s17, s0, $0xb8;
	[tilespmem:$0x5900] =	vst v63  }
0x80: {  	_ =	swait.ge [sflag:s6], $0x2000  }
0x81: {  	[sflag:s6] =	ssyncset.done $0x0  }
.Ltmp1:
0x82: {  	s16 =	sadd.s32 s16, s29;
	[sflag:s6] =	ssyncadd.s32 $0xFFFFE000;
	(pc) =	sbr.rel @p0 .LBB2_4-.Ltmp1, $4  }
0x83: {  	[hbm4b:s16+s2] =	stream.linear.scatter [tilespmem:s5], [sflag:$0x3], $0x2000, $0x38;
	[tilespmem:$0x5900] =	vst v63  }
0x84: {  	_ =	swait.ge [sflag:s1], $0x2000  }
0x85: {  	[sflag:s1] =	ssyncset.done $0x0  }
0x86: {  	s15 =	sadd.s32 $0x100, s15;
	[sflag:s1] =	ssyncadd.s32 $0xFFFFE000  }
0x87: {  	[tilespmem:s5], [sflag:$0x2] =	stream.indirect.gather [hbm4b:s9+s0], $0x40, s12, s0, $0xb8;
	[tilespmem:$0x5900] =	vst v63  }
0x88: {  	_ =	swait.ge [sflag:s7], $0x2000  }
0x89: {  	[sflag:s7] =	ssyncset.done $0x0  }
0x8a: {  	[sflag:s7] =	ssyncadd.s32 $0xFFFFE000  }
0x8b: {  	[hbm4b:s22+s2] =	stream.linear.scatter [tilespmem:s4], [sflag:$0x3], $0x2000, $0x38;
	[tilespmem:$0x5900] =	vst v63  }
0x8c: {  	_ =	swait.ge [sflag:s1], $0x2000  }
0x8d: {  	[sflag:s1] =	ssyncset.done $0x0  }
0x8e: {  	s13 =	simm.s32 $0xC00;
	[sflag:s1] =	ssyncadd.s32 $0xFFFFE000  }
0x8f: {  	[tilespmem:s4], [sflag:$0x1] =	stream.indirect.gather [hbm4b:s9+s0], $0x40, s13, s0, $0xb8;
	[tilespmem:$0x5900] =	vst v63  }
0x90: {  	_ =	swait.ge [sflag:s6], $0x2000  }
0x91: {  	[sflag:s6] =	ssyncset.done $0x0  }
0x92: {  	[sflag:s6] =	ssyncadd.s32 $0xFFFFE000  }
0x93: {  	[hbm4b:s26+s2] =	stream.linear.scatter [tilespmem:s5], [sflag:$0x3], $0x2000, $0x38;
	[tilespmem:$0x5900] =	vst v63  }
0x94: {  	_ =	swait.ge [sflag:s1], $0x2000  }
0x95: {  	[sflag:s1] =	ssyncset.done $0x0  }
0x96: {  	[sflag:s1] =	ssyncadd.s32 $0xFFFFE000  }
0x97: {  	_ =	swait.ge [sflag:s7], $0x2000  }
0x98: {  	[sflag:s7] =	ssyncset.done $0x0  }
0x99: {  	[sflag:s7] =	ssyncadd.s32 $0xFFFFE000  }
0x9a: {  	[hbm4b:s21+s2] =	stream.linear.scatter [tilespmem:s4], [sflag:$0x3], $0x2000, $0x38;
	[tilespmem:$0x5900] =	vst v63  }
0x9b: {  	_ =	swait.ge [sflag:s1], $0x2000  }
0x9c: {  	[sflag:s1] =	ssyncset.done $0x0  }
0x9d: {  	s15 =	rddreg [dreg:$0x5];
	[sflag:s1] =	ssyncadd.s32 $0xFFFFE000  }
0x9e: {  	[tilespmem:s2], [sflag:$0x3] =	stream.linear.gather [hbm4b:s15+s2], $0x280, $0x38;
	[tilespmem:$0x5900] =	vst v63  }
0x9f: {  	_ =	swait.ge [sflag:s1], $0x280  }
0xa0: {  	[sflag:s1] =	ssyncset.done $0x0  }
0xa1: {  	[sflag:s1] =	ssyncadd.s32 $0xFFFFFD80  }
0xa2: {  	[tilespmem:s4], [sflag:$0x1] =	stream.indirect.gather [hbm4b:s3+s0], $0x40, s2, s0, $0xb8;
	[tilespmem:$0x5900] =	vst v63  }
0xa3: {  	_ = 	snop  }
0xa4: {  	[tilespmem:s5], [sflag:$0x2] =	stream.indirect.gather [hbm4b:s3+s0], $0x40, s0, s0, $0xb8;
	[tilespmem:$0x5900] =	vst v63  }
0xa5: {  	_ =	swait.ge [sflag:s7], $0x2000  }
0xa6: {  	[sflag:s7] =	ssyncset.done $0x0  }
0xa7: {  	[sflag:s7] =	ssyncadd.s32 $0xFFFFE000  }
0xa8: {  	[hbm4b:s18+s2] =	stream.linear.scatter [tilespmem:s4], [sflag:$0x3], $0x2000, $0x38;
	[tilespmem:$0x5900] =	vst v63  }
0xa9: {  	_ =	swait.ge [sflag:s1], $0x2000  }
0xaa: {  	[sflag:s1] =	ssyncset.done $0x0  }
0xab: {  	[sflag:s1] =	ssyncadd.s32 $0xFFFFE000  }
0xac: {  	[tilespmem:s4], [sflag:$0x1] =	stream.indirect.gather [hbm4b:s3+s0], $0x40, s10, s0, $0xb8;
	[tilespmem:$0x5900] =	vst v63  }
0xad: {  	_ =	swait.ge [sflag:s6], $0x2000  }
0xae: {  	[sflag:s6] =	ssyncset.done $0x0  }
0xaf: {  	[sflag:s6] =	ssyncadd.s32 $0xFFFFE000  }
0xb0: {  	[hbm4b:s23+s2] =	stream.linear.scatter [tilespmem:s5], [sflag:$0x3], $0x2000, $0x38;
	[tilespmem:$0x5900] =	vst v63  }
0xb1: {  	_ =	swait.ge [sflag:s1], $0x2000  }
0xb2: {  	[sflag:s1] =	ssyncset.done $0x0  }
0xb3: {  	s16 =	simm.s32 $0x180;
	[sflag:s1] =	ssyncadd.s32 $0xFFFFE000  }
0xb4: {  	[tilespmem:s5], [sflag:$0x2] =	stream.indirect.gather [hbm4b:s3+s0], $0x40, s16, s0, $0xb8;
	[tilespmem:$0x5900] =	vst v63  }
0xb5: {  	_ =	swait.ge [sflag:s7], $0x2000  }
0xb6: {  	[sflag:s7] =	ssyncset.done $0x0  }
0xb7: {  	[sflag:s7] =	ssyncadd.s32 $0xFFFFE000  }
0xb8: {  	[hbm4b:s31+s2] =	stream.linear.scatter [tilespmem:s4], [sflag:$0x3], $0x2000, $0x38;
	[tilespmem:$0x5900] =	vst v63  }
0xb9: {  	_ =	swait.ge [sflag:s1], $0x2000  }
0xba: {  	[sflag:s1] =	ssyncset.done $0x0  }
0xbb: {  	s17 =	simm.s32 $0x200;
	[sflag:s1] =	ssyncadd.s32 $0xFFFFE000  }
0xbc: {  	[tilespmem:s4], [sflag:$0x1] =	stream.indirect.gather [hbm4b:s3+s0], $0x40, s17, s0, $0xb8;
	[tilespmem:$0x5900] =	vst v63  }
0xbd: {  	_ =	swait.ge [sflag:s6], $0x2000  }
0xbe: {  	[sflag:s6] =	ssyncset.done $0x0  }
0xbf: {  	[sflag:s6] =	ssyncadd.s32 $0xFFFFE000  }
0xc0: {  	[hbm4b:s24+s2] =	stream.linear.scatter [tilespmem:s5], [sflag:$0x3], $0x2000, $0x38;
	[tilespmem:$0x5900] =	vst v63  }
0xc1: {  	_ =	swait.ge [sflag:s1], $0x2000  }
0xc2: {  	[sflag:s1] =	ssyncset.done $0x0  }
0xc3: {  	[sflag:s1] =	ssyncadd.s32 $0xFFFFE000  }
0xc4: {  	_ =	swait.ge [sflag:s7], $0x2000  }
0xc5: {  	[sflag:s7] =	ssyncset.done $0x0  }
0xc6: {  	[sflag:s7] =	ssyncadd.s32 $0xFFFFE000  }
0xc7: {  	[hbm4b:s30+s2] =	stream.linear.scatter [tilespmem:s4], [sflag:$0x3], $0x2000, $0x38;
	[tilespmem:$0x5900] =	vst v63  }
0xc8: {  	_ =	swait.ge [sflag:s1], $0x2000  }
0xc9: {  	[sflag:s1] =	ssyncset.done $0x0  }
0xca: {  	s13 =	rddreg [dreg:$0x8];
	[sflag:s1] =	ssyncadd.s32 $0xFFFFE000  }
0xcb: {  	[tilespmem:s2], [sflag:$0x3] =	stream.linear.gather [hbm4b:s13+s2], $0x180, $0x38;
	[tilespmem:$0x5900] =	vst v63  }
0xcc: {  	_ =	swait.ge [sflag:s1], $0x180  }
0xcd: {  	[sflag:s1] =	ssyncset.done $0x0  }
0xce: {  	[sflag:s1] =	ssyncadd.s32 $0xFFFFFE80  }
0xcf: {  	[tilespmem:s4], [sflag:$0x1] =	stream.indirect.gather [hbm4b:s9+s0], $0x40, s2, s0, $0xb8;
	[tilespmem:$0x5900] =	vst v63  }
0xd0: {  	_ = 	snop  }
0xd1: {  	[tilespmem:s5], [sflag:$0x2] =	stream.indirect.gather [hbm4b:s9+s0], $0x40, s0, s0, $0xb8;
	[tilespmem:$0x5900] =	vst v63  }
0xd2: {  	_ =	swait.ge [sflag:s7], $0x2000  }
0xd3: {  	[sflag:s7] =	ssyncset.done $0x0  }
0xd4: {  	s15 =	rddreg [dreg:$0x6];
	[sflag:s7] =	ssyncadd.s32 $0xFFFFE000  }
0xd5: {  	[hbm4b:s15+s2] =	stream.linear.scatter [tilespmem:s4], [sflag:$0x3], $0x2000, $0x38;
	[tilespmem:$0x5900] =	vst v63  }
0xd6: {  	_ =	swait.ge [sflag:s1], $0x2000  }
0xd7: {  	[sflag:s1] =	ssyncset.done $0x0  }
0xd8: {  	[sflag:s1] =	ssyncadd.s32 $0xFFFFE000  }
0xd9: {  	[tilespmem:s4], [sflag:$0x1] =	stream.indirect.gather [hbm4b:s9+s0], $0x40, s10, s0, $0xb8;
	[tilespmem:$0x5900] =	vst v63  }
0xda: {  	_ =	swait.ge [sflag:s6], $0x2000  }
0xdb: {  	[sflag:s6] =	ssyncset.done $0x0  }
0xdc: {  	s16 =	rddreg [dreg:$0x9];
	[sflag:s6] =	ssyncadd.s32 $0xFFFFE000  }
0xdd: {  	[hbm4b:s16+s2] =	stream.linear.scatter [tilespmem:s5], [sflag:$0x3], $0x2000, $0x38;
	[tilespmem:$0x5900] =	vst v63  }
0xde: {  	_ =	swait.ge [sflag:s1], $0x2000  }
0xdf: {  	[sflag:s1] =	ssyncset.done $0x0  }
0xe0: {  	[sflag:s1] =	ssyncadd.s32 $0xFFFFE000  }
0xe1: {  	_ =	swait.ge [sflag:s7], $0x2000  }
0xe2: {  	[sflag:s7] =	ssyncset.done $0x0  }
0xe3: {  	s17 =	rddreg [dreg:$0xa];
	[sflag:s7] =	ssyncadd.s32 $0xFFFFE000  }
0xe4: {  	[hbm4b:s17+s2] =	stream.linear.scatter [tilespmem:s4], [sflag:$0x3], $0x2000, $0x38;
	[tilespmem:$0x5900] =	vst v63  }
0xe5: {  	_ =	swait.ge [sflag:s1], $0x2000  }
0xe6: {  	[sflag:s1] =	ssyncset.done $0x0  }
0xe7: {  	s13 =	rddreg [dreg:$0xb];
	[sflag:s1] =	ssyncadd.s32 $0xFFFFE000  }
0xe8: {  	[tilespmem:s2], [sflag:$0x3] =	stream.linear.gather [hbm4b:s13+s2], $0x80, $0x38;
	[tilespmem:$0x5900] =	vst v63  }
0xe9: {  	_ =	swait.ge [sflag:s1], $0x80  }
0xea: {  	[sflag:s1] =	ssyncset.done $0x0  }
0xeb: {  	[sflag:s1] =	ssyncadd.s32 $0xFFFFFF80  }
0xec: {  	[tilespmem:s4], [sflag:$0x1] =	stream.indirect.gather [hbm4b:s3+s0], $0x40, s2, s0, $0xb8;
	[tilespmem:$0x5900] =	vst v63  }
0xed: {  	_ =	swait.ge [sflag:s7], $0x2000  }
0xee: {  	[sflag:s7] =	ssyncset.done $0x0  }
0xef: {  	s15 =	rddreg [dreg:$0xd];
	[sflag:s7] =	ssyncadd.s32 $0xFFFFE000  }
0xf0: {  	[hbm4b:s15+s2] =	stream.linear.scatter [tilespmem:s4], [sflag:$0x3], $0x2000, $0x38;
	[tilespmem:$0x5900] =	vst v63  }
0xf1: {  	_ =	swait.ge [sflag:s1], $0x2000  }
0xf2: {  	[sflag:s1] =	ssyncset.done $0x0  }
0xf3: {  	s16 =	rddreg [dreg:$0xc];
	[sflag:s1] =	ssyncadd.s32 $0xFFFFE000  }
0xf4: {  	[tilespmem:s2], [sflag:$0x3] =	stream.linear.gather [hbm4b:s16+s2], $0x80, $0x38;
	[tilespmem:$0x5900] =	vst v63  }
0xf5: {  	_ =	swait.ge [sflag:s1], $0x80  }
0xf6: {  	[sflag:s1] =	ssyncset.done $0x0  }
0xf7: {  	[sflag:s1] =	ssyncadd.s32 $0xFFFFFF80  }
0xf8: {  	[tilespmem:s4], [sflag:$0x1] =	stream.indirect.gather [hbm4b:s9+s0], $0x40, s2, s0, $0xb8;
	[tilespmem:$0x5900] =	vst v63  }
0xf9: {  	s11 =	sadd.s32 $0x1, s11;
	_ =	swait.ge [sflag:s7], $0x2000  }
0xfa: {  	p0 =	sne.s32 s11, s19;
	[sflag:s7] =	ssyncset.done $0x0  }
.Ltmp2:
0xfb: {  	s17 =	rddreg [dreg:$0xe];
	[sflag:s7] =	ssyncadd.s32 $0xFFFFE000;
	(pc) =	sbr.rel @p0 .LBB2_1-.Ltmp2, $4  }
0xfc: {  	[hbm4b:s17+s2] =	stream.linear.scatter [tilespmem:s4], [sflag:$0x3], $0x2000, $0x38;
	[tilespmem:$0x5900] =	vst v63  }
0xfd: {  	_ =	swait.ge [sflag:s1], $0x2000  }
0xfe: {  	[sflag:s1] =	ssyncset.done $0x0  }
0xff: {  	[sflag:s1] =	ssyncadd.s32 $0xFFFFE000  }
0x100: {  	_ =	sfence.sel $0x180000  }
0x101: {  	[bflag:$0x0] =	sbarrier.arrive $0xFFFF  }
0x102: {  	_ =	strace $0x90000047  }
0x103: {  	s0 =	stileid.u32;
	[bflag:$0x2] =	sbarrier.arrive $0xFFFF  }
0x104: {  	p0 =	sne.s32 s0, $0x0;
	s0 =	rddreg [dreg:$0x3]  }
0x105: {  	s0 =	sadd.s32 @!p0 $0x100000, s0  }
0x106: {  	[sflag:s0] =	ssyncadd.tile.s32 @!p0 $0x1;
	_ =	shalt  }
.Lfunc_end2:
_tile_overlayer_lowered:
.L_overlay_start_2:
0x107: {  	(tag) =	ssettag $0x2  }
0x108: {  	s0 =	rddreg [dreg:$0x0];
	s2 =	stileid.u32  }
0x109: {  	s1 =	rddreg [dreg:$0x1];
	p0 =	sne.s32 s2, $0x0  }
0x10a: {  	s3 =	rddreg [dreg:$0x2];
	[bflag:$0x3] =	sbarrier.arrive $0xFFFF;
	s2 =	simm.s32 @!p0 $0x1C03  }
0x10b: {  	[timem:s3], [sflag:s2] =	dma.local @!p0 [hbm:s0], s1  }
0x10c: {  	s0 =	simm.s32 @!p0 $0x3  }
0x10d: {  	_ =	swait.ge @!p0 [sflag:s0], s1  }
0x10e: {  	s1 =	ssub.s32 @!p0 $0x0, s1;
	[sflag:s0] =	ssyncset.done @!p0 $0x0  }
0x10f: {  	[sflag:s0] =	ssyncadd.s32 @!p0 s1  }
0x110: {  	[bflag:$0x3] =	sbarrier.arrive $0xFFFF  }
0x111: {  	_ =	shalt  }

</sc_bundles>
